<compile_context>
chip_gen: v7x
topology: tpu7x:2x2x1
jax: 0.10.2.dev20260603
libtpu: 0.0.44.dev20260713+nightly
codegen_flags: <defaults>
</compile_context>

<pallas_src>
import functools

import jax
import jax.numpy as jnp
from jax import lax
from jax.experimental import pallas as pl
from jax.experimental.pallas import tpu as pltpu
from jax.experimental.pallas import tpu_sc as plsc

EMBED_DIM = 16
HIST_LEN = 200
CHUNK = 16
NUM_ACTIVE = -(-HIST_LEN // CHUNK)
OVERLAP = NUM_ACTIVE * CHUNK - HIST_LEN

_mesh = plsc.VectorSubcoreMesh(
    core_axis_name="c", subcore_axis_name="s", num_cores=1)


@functools.partial(
    pl.kernel,
    mesh=_mesh,
    compiler_params=pltpu.CompilerParams(needs_layout_passes=False),
    out_type=[
        jax.ShapeDtypeStruct((EMBED_DIM,), jnp.float32),
        jax.ShapeDtypeStruct((EMBED_DIM,), jnp.float32),
        jax.ShapeDtypeStruct((NUM_ACTIVE, EMBED_DIM), jnp.float32),
    ],
    scratch_types=[
        pltpu.VMEM((CHUNK, EMBED_DIM, 128), jnp.float32),
        pltpu.VMEM((CHUNK,), jnp.int32),
        pltpu.VMEM((EMBED_DIM,), jnp.float32),
        pltpu.VMEM((NUM_ACTIVE, EMBED_DIM), jnp.float32),
        pltpu.VMEM((EMBED_DIM,), jnp.float32),
        pltpu.VMEM((EMBED_DIM,), jnp.float32),
        pltpu.VMEM((EMBED_DIM,), jnp.float32),
        pltpu.SemaphoreType.DMA,
        pltpu.SemaphoreType.DMA,
        pltpu.SemaphoreType.DMA,
    ],
)
def _ehr_lr_sc(idx_hbm, tableT_hbm, w_hbm, b_hbm, sig_hbm, emb_hbm,
               parts_hbm, blocks_v, myidx_v, part_v, parts_v, wv, bv, sigv,
               sem, sem_w, sem_b):
    sid = lax.axis_index("s")

    @pl.when(sid == 0)
    def _():
        pltpu.async_copy(w_hbm, wv, sem_w)
        pltpu.async_copy(b_hbm, bv.at[pl.ds(0, 1)], sem_b)

    @pl.when(sid < NUM_ACTIVE)
    def _():
        for ci in range(NUM_ACTIVE):
            base_ci = min(ci * CHUNK, HIST_LEN - CHUNK)

            @pl.when(sid == ci)
            def _(base_ci=base_ci):
                pltpu.sync_copy(idx_hbm.at[pl.ds(base_ci, CHUNK)], myidx_v)

        v16 = myidx_v[...]
        lanes = lax.iota(jnp.int32, EMBED_DIM)
        accs = [jnp.zeros((EMBED_DIM,), jnp.float32) for _ in range(4)]
        last = sid == NUM_ACTIVE - 1
        copies = []
        for j in range(CHUNK):
            r = v16[j]
            blk = pl.multiple_of((r // 128) * 128, 128)
            copies.append(pltpu.async_copy(
                tableT_hbm.at[:, pl.ds(blk, 128)], blocks_v.at[j], sem))
        for c in copies:
            c.wait()
        for j in range(CHUNK):
            r = v16[j]
            lane = jnp.broadcast_to(lax.rem(r, 128), (EMBED_DIM,))
            col = plsc.load_gather(blocks_v.at[j], [lanes, lane])
            valid = jnp.logical_or(jnp.logical_not(last),
                                   j >= OVERLAP).astype(jnp.float32)
            accs[j % 4] = accs[j % 4] + col * valid
        part_v[...] = (accs[0] + accs[1]) + (accs[2] + accs[3])
        pltpu.sync_copy(part_v, parts_hbm.at[sid])

    plsc.subcore_barrier()

    @pl.when(sid == 0)
    def _():
        pltpu.sync_copy(parts_hbm, parts_v)
        acc = parts_v[0]
        for t in range(1, NUM_ACTIVE):
            acc = acc + parts_v[t]
        part_v[...] = acc

        pltpu.make_async_copy(w_hbm, wv, sem_w).wait()
        pltpu.make_async_copy(b_hbm, bv.at[pl.ds(0, 1)], sem_b).wait()
        t = acc * wv[...]
        lanes = lax.iota(jnp.int32, EMBED_DIM)
        dnums = lax.GatherDimensionNumbers(
            offset_dims=(), collapsed_slice_dims=(0,), start_index_map=(0,))
        for k in (1, 2, 4, 8):
            shuf = lax.gather(
                t, (lanes ^ k)[:, None], dnums, (1,),
                mode=lax.GatherScatterMode.PROMISE_IN_BOUNDS)
            t = t + shuf
        z = t + bv[...]
        sigv[...] = 1.0 / (1.0 + jnp.exp(-z))

        pltpu.sync_copy(sigv, sig_hbm)
        pltpu.sync_copy(part_v, emb_hbm)


def kernel(label, ehr_seq, emb, W, b):
    idx = ehr_seq.astype(jnp.int32)
    sig16, emb16, _ = _ehr_lr_sc(idx, emb.T, W.reshape(EMBED_DIM), b)
    output = sig16[:1].reshape(1, 1)
    embedded = emb16.reshape(1, EMBED_DIM)
    return (output, label, embedded)

# --- scband reference (transcript-rebuilt; emitter-appended) ---
"""Pipeline reference for scband-ehr-lr-19464791786021 (READ-ONLY COPY).

The authoritative reference and input builder live on the scoring server;
editing this copy changes nothing except your own understanding.
"""

import jax, jax.numpy as jnp
import numpy as np

VOCAB = 1000000
EMBED_DIM = 16
HIST_LEN = 200

def setup_inputs(seed: int = 0) -> dict:
    key = jax.random.key(seed)
    k1, k2, k3, k4 = jax.random.split(key, 4)
    ehr_seq = jax.random.randint(k1, (HIST_LEN,), 0, VOCAB)
    label = jax.random.uniform(k2, (1, 1), dtype=jnp.float32)
    emb = jax.random.normal(k3, (VOCAB, EMBED_DIM), dtype=jnp.float32) * 0.02
    W = jax.random.normal(k4, (EMBED_DIM, 1), dtype=jnp.float32) * 0.1
    b = jnp.zeros((1,), dtype=jnp.float32)
    return {"label": label, "ehr_seq": ehr_seq, "emb": emb, "W": W, "b": b}

def reference(label, ehr_seq, emb, W, b):
    # embedding lookup: gather rows of the table by code ids
    embedded = jnp.take(emb, ehr_seq, axis=0).reshape(-1, EMBED_DIM)
    # sum-pool the visit codes into a single patient representation
    embedded = jnp.sum(embedded, axis=0).reshape(1, -1)
    # linear head + sigmoid
    output = jax.nn.sigmoid(embedded @ W + b)
    return (output, label, embedded)

if __name__ == "__main__":
    import jax
    _d = setup_inputs()
    print(jax.jit(kernel)(*tuple(_d.values())))

</pallas_src>

<mosaic_0001>
#map = affine_map<(d0, d1) -> (0)>
#map1 = affine_map<(d0, d1) -> (0, 0)>
module attributes {stable_mosaic.version = 14 : i64} {
  func.func @_ehr_lr_sc(%arg0: i32, %arg1: i32, %arg2: memref<200xi32, #tpu.memory_space<hbm>>, %arg3: memref<16x1000000xf32, #tpu.memory_space<hbm>>, %arg4: memref<16xf32, #tpu.memory_space<hbm>>, %arg5: memref<1xf32, #tpu.memory_space<hbm>>, %arg6: memref<16xf32, #tpu.memory_space<hbm>>, %arg7: memref<16xf32, #tpu.memory_space<hbm>>, %arg8: memref<13x16xf32, #tpu.memory_space<hbm>>, %arg9: memref<16x16x128xf32, #tpu.memory_space<vmem>>, %arg10: memref<16xi32, #tpu.memory_space<vmem>>, %arg11: memref<16xf32, #tpu.memory_space<vmem>>, %arg12: memref<13x16xf32, #tpu.memory_space<vmem>>, %arg13: memref<16xf32, #tpu.memory_space<vmem>>, %arg14: memref<16xf32, #tpu.memory_space<vmem>>, %arg15: memref<16xf32, #tpu.memory_space<vmem>>, %arg16: memref<!tpu.dma_semaphore, #tpu.memory_space<semaphore_mem>>, %arg17: memref<!tpu.dma_semaphore, #tpu.memory_space<semaphore_mem>>, %arg18: memref<!tpu.dma_semaphore, #tpu.memory_space<semaphore_mem>>) attributes {dimension_semantics = [#tpu.dimension_semantics<core_parallel>, #tpu.dimension_semantics<subcore_parallel>], iteration_bounds = array<i64: 1, 16>, scalar_prefetch = 0 : i64, scratch_operands = 10 : i64, tpu.core_type = #tpu.core_type<sc_vector_subcore>, window_params = [{transform_indices = #map}, {transform_indices = #map1}, {transform_indices = #map}, {transform_indices = #map}, {transform_indices = #map}, {transform_indices = #map}, {transform_indices = #map1}]} {
    %eq3A = arith.constant 0 : i32
    %eq3A_0 = arith.cmpi eq, %arg1, %eq3A : i32
    %convert_element_type3A = arith.extui %eq3A_0 : i1 to i32
    %cond3A = arith.constant 0 : i32
    %cond3A_1 = arith.cmpi ne, %convert_element_type3A, %cond3A : i32
    scf.if %cond3A_1 {
      tpu.enqueue_dma source(%arg4 : memref<16xf32, #tpu.memory_space<hbm>>) target(%arg13 : memref<16xf32, #tpu.memory_space<vmem>>) target_semaphore(%arg17 : memref<!tpu.dma_semaphore, #tpu.memory_space<semaphore_mem>>)
      %dma_start3A = arith.constant 0 : i32
      %dma_start3A_11 = tpu.memref_slice %arg14[%dma_start3A] : memref<16xf32, #tpu.memory_space<vmem>> -> memref<1xf32, #tpu.memory_space<vmem>>
      %dma_start3A_12 = arith.constant 0 : i32
      %dma_start3A_13 = tpu.memref_slice %arg14[%dma_start3A_12] : memref<16xf32, #tpu.memory_space<vmem>> -> memref<1xf32, #tpu.memory_space<vmem>>
      tpu.enqueue_dma source(%arg5 : memref<1xf32, #tpu.memory_space<hbm>>) target(%dma_start3A_13 : memref<1xf32, #tpu.memory_space<vmem>>) target_semaphore(%arg18 : memref<!tpu.dma_semaphore, #tpu.memory_space<semaphore_mem>>)
    } else {
    }
    %lt3A = arith.constant 13 : i32
    %lt3A_2 = arith.cmpi slt, %arg1, %lt3A : i32
    %convert_element_type3A_3 = arith.extui %lt3A_2 : i1 to i32
    %cond3A_4 = arith.constant 0 : i32
    %cond3A_5 = arith.cmpi ne, %convert_element_type3A_3, %cond3A_4 : i32
    scf.if %cond3A_5 {
      %eq3A_11 = arith.constant 0 : i32
      %eq3A_12 = arith.cmpi eq, %arg1, %eq3A_11 : i32
      %convert_element_type3A_13 = arith.extui %eq3A_12 : i1 to i32
      %cond3A_14 = arith.constant 0 : i32
      %cond3A_15 = arith.cmpi ne, %convert_element_type3A_13, %cond3A_14 : i32
      scf.if %cond3A_15 {
        "tpu.region"() ({
          %run_scoped3A = tpu.sem_alloc : memref<!tpu.dma_semaphore, #tpu.memory_space<semaphore_mem>>
          %dma_start3A_1272 = arith.constant 0 : i32
          %dma_start3A_1273 = tpu.memref_slice %arg2[%dma_start3A_1272] : memref<200xi32, #tpu.memory_space<hbm>> -> memref<16xi32, #tpu.memory_space<hbm>>
          %dma_start3A_1274 = arith.constant 0 : i32
          %dma_start3A_1275 = tpu.memref_slice %arg2[%dma_start3A_1274] : memref<200xi32, #tpu.memory_space<hbm>> -> memref<16xi32, #tpu.memory_space<hbm>>
          tpu.enqueue_dma source(%dma_start3A_1275 : memref<16xi32, #tpu.memory_space<hbm>>) target(%arg10 : memref<16xi32, #tpu.memory_space<vmem>>) target_semaphore(%run_scoped3A : memref<!tpu.dma_semaphore, #tpu.memory_space<semaphore_mem>>)
          %dma_wait3A_1276 = arith.constant 0 : i32
          %dma_wait3A_1277 = tpu.memref_slice %arg2[%dma_wait3A_1276] : memref<200xi32, #tpu.memory_space<hbm>> -> memref<16xi32, #tpu.memory_space<hbm>>
          %dma_wait3A_1278 = arith.constant 0 : i32
          %dma_wait3A_1279 = tpu.memref_slice %arg2[%dma_wait3A_1278] : memref<200xi32, #tpu.memory_space<hbm>> -> memref<16xi32, #tpu.memory_space<hbm>>
          tpu.wait_dma2 semaphore(%run_scoped3A : memref<!tpu.dma_semaphore, #tpu.memory_space<semaphore_mem>>) src(%dma_wait3A_1279 : memref<16xi32, #tpu.memory_space<hbm>>) dst(%arg10 : memref<16xi32, #tpu.memory_space<vmem>>)
          tpu.yield
        }) : () -> ()
      } else {
      }
      %eq3A_16 = arith.constant 1 : i32
      %eq3A_17 = arith.cmpi eq, %arg1, %eq3A_16 : i32
      %convert_element_type3A_18 = arith.extui %eq3A_17 : i1 to i32
      %cond3A_19 = arith.constant 0 : i32
      %cond3A_20 = arith.cmpi ne, %convert_element_type3A_18, %cond3A_19 : i32
      scf.if %cond3A_20 {
        "tpu.region"() ({
          %run_scoped3A = tpu.sem_alloc : memref<!tpu.dma_semaphore, #tpu.memory_space<semaphore_mem>>
          %dma_start3A_1272 = arith.constant 16 : i32
          %dma_start3A_1273 = tpu.memref_slice %arg2[%dma_start3A_1272] : memref<200xi32, #tpu.memory_space<hbm>> -> memref<16xi32, #tpu.memory_space<hbm>>
          %dma_start3A_1274 = arith.constant 16 : i32
          %dma_start3A_1275 = tpu.memref_slice %arg2[%dma_start3A_1274] : memref<200xi32, #tpu.memory_space<hbm>> -> memref<16xi32, #tpu.memory_space<hbm>>
          tpu.enqueue_dma source(%dma_start3A_1275 : memref<16xi32, #tpu.memory_space<hbm>>) target(%arg10 : memref<16xi32, #tpu.memory_space<vmem>>) target_semaphore(%run_scoped3A : memref<!tpu.dma_semaphore, #tpu.memory_space<semaphore_mem>>)
          %dma_wait3A_1276 = arith.constant 16 : i32
          %dma_wait3A_1277 = tpu.memref_slice %arg2[%dma_wait3A_1276] : memref<200xi32, #tpu.memory_space<hbm>> -> memref<16xi32, #tpu.memory_space<hbm>>
          %dma_wait3A_1278 = arith.constant 16 : i32
          %dma_wait3A_1279 = tpu.memref_slice %arg2[%dma_wait3A_1278] : memref<200xi32, #tpu.memory_space<hbm>> -> memref<16xi32, #tpu.memory_space<hbm>>
          tpu.wait_dma2 semaphore(%run_scoped3A : memref<!tpu.dma_semaphore, #tpu.memory_space<semaphore_mem>>) src(%dma_wait3A_1279 : memref<16xi32, #tpu.memory_space<hbm>>) dst(%arg10 : memref<16xi32, #tpu.memory_space<vmem>>)
          tpu.yield
        }) : () -> ()
      } else {
      }
      %eq3A_21 = arith.constant 2 : i32
      %eq3A_22 = arith.cmpi eq, %arg1, %eq3A_21 : i32
      %convert_element_type3A_23 = arith.extui %eq3A_22 : i1 to i32
      %cond3A_24 = arith.constant 0 : i32
      %cond3A_25 = arith.cmpi ne, %convert_element_type3A_23, %cond3A_24 : i32
      scf.if %cond3A_25 {
        "tpu.region"() ({
          %run_scoped3A = tpu.sem_alloc : memref<!tpu.dma_semaphore, #tpu.memory_space<semaphore_mem>>
          %dma_start3A_1272 = arith.constant 32 : i32
          %dma_start3A_1273 = tpu.memref_slice %arg2[%dma_start3A_1272] : memref<200xi32, #tpu.memory_space<hbm>> -> memref<16xi32, #tpu.memory_space<hbm>>
          %dma_start3A_1274 = arith.constant 32 : i32
          %dma_start3A_1275 = tpu.memref_slice %arg2[%dma_start3A_1274] : memref<200xi32, #tpu.memory_space<hbm>> -> memref<16xi32, #tpu.memory_space<hbm>>
          tpu.enqueue_dma source(%dma_start3A_1275 : memref<16xi32, #tpu.memory_space<hbm>>) target(%arg10 : memref<16xi32, #tpu.memory_space<vmem>>) target_semaphore(%run_scoped3A : memref<!tpu.dma_semaphore, #tpu.memory_space<semaphore_mem>>)
          %dma_wait3A_1276 = arith.constant 32 : i32
          %dma_wait3A_1277 = tpu.memref_slice %arg2[%dma_wait3A_1276] : memref<200xi32, #tpu.memory_space<hbm>> -> memref<16xi32, #tpu.memory_space<hbm>>
          %dma_wait3A_1278 = arith.constant 32 : i32
          %dma_wait3A_1279 = tpu.memref_slice %arg2[%dma_wait3A_1278] : memref<200xi32, #tpu.memory_space<hbm>> -> memref<16xi32, #tpu.memory_space<hbm>>
          tpu.wait_dma2 semaphore(%run_scoped3A : memref<!tpu.dma_semaphore, #tpu.memory_space<semaphore_mem>>) src(%dma_wait3A_1279 : memref<16xi32, #tpu.memory_space<hbm>>) dst(%arg10 : memref<16xi32, #tpu.memory_space<vmem>>)
          tpu.yield
        }) : () -> ()
      } else {
      }
      %eq3A_26 = arith.constant 3 : i32
      %eq3A_27 = arith.cmpi eq, %arg1, %eq3A_26 : i32
      %convert_element_type3A_28 = arith.extui %eq3A_27 : i1 to i32
      %cond3A_29 = arith.constant 0 : i32
      %cond3A_30 = arith.cmpi ne, %convert_element_type3A_28, %cond3A_29 : i32
      scf.if %cond3A_30 {
        "tpu.region"() ({
          %run_scoped3A = tpu.sem_alloc : memref<!tpu.dma_semaphore, #tpu.memory_space<semaphore_mem>>
          %dma_start3A_1272 = arith.constant 48 : i32
          %dma_start3A_1273 = tpu.memref_slice %arg2[%dma_start3A_1272] : memref<200xi32, #tpu.memory_space<hbm>> -> memref<16xi32, #tpu.memory_space<hbm>>
          %dma_start3A_1274 = arith.constant 48 : i32
          %dma_start3A_1275 = tpu.memref_slice %arg2[%dma_start3A_1274] : memref<200xi32, #tpu.memory_space<hbm>> -> memref<16xi32, #tpu.memory_space<hbm>>
          tpu.enqueue_dma source(%dma_start3A_1275 : memref<16xi32, #tpu.memory_space<hbm>>) target(%arg10 : memref<16xi32, #tpu.memory_space<vmem>>) target_semaphore(%run_scoped3A : memref<!tpu.dma_semaphore, #tpu.memory_space<semaphore_mem>>)
          %dma_wait3A_1276 = arith.constant 48 : i32
          %dma_wait3A_1277 = tpu.memref_slice %arg2[%dma_wait3A_1276] : memref<200xi32, #tpu.memory_space<hbm>> -> memref<16xi32, #tpu.memory_space<hbm>>
          %dma_wait3A_1278 = arith.constant 48 : i32
          %dma_wait3A_1279 = tpu.memref_slice %arg2[%dma_wait3A_1278] : memref<200xi32, #tpu.memory_space<hbm>> -> memref<16xi32, #tpu.memory_space<hbm>>
          tpu.wait_dma2 semaphore(%run_scoped3A : memref<!tpu.dma_semaphore, #tpu.memory_space<semaphore_mem>>) src(%dma_wait3A_1279 : memref<16xi32, #tpu.memory_space<hbm>>) dst(%arg10 : memref<16xi32, #tpu.memory_space<vmem>>)
          tpu.yield
        }) : () -> ()
      } else {
      }
      %eq3A_31 = arith.constant 4 : i32
      %eq3A_32 = arith.cmpi eq, %arg1, %eq3A_31 : i32
      %convert_element_type3A_33 = arith.extui %eq3A_32 : i1 to i32
      %cond3A_34 = arith.constant 0 : i32
      %cond3A_35 = arith.cmpi ne, %convert_element_type3A_33, %cond3A_34 : i32
      scf.if %cond3A_35 {
        "tpu.region"() ({
          %run_scoped3A = tpu.sem_alloc : memref<!tpu.dma_semaphore, #tpu.memory_space<semaphore_mem>>
          %dma_start3A_1272 = arith.constant 64 : i32
          %dma_start3A_1273 = tpu.memref_slice %arg2[%dma_start3A_1272] : memref<200xi32, #tpu.memory_space<hbm>> -> memref<16xi32, #tpu.memory_space<hbm>>
          %dma_start3A_1274 = arith.constant 64 : i32
          %dma_start3A_1275 = tpu.memref_slice %arg2[%dma_start3A_1274] : memref<200xi32, #tpu.memory_space<hbm>> -> memref<16xi32, #tpu.memory_space<hbm>>
          tpu.enqueue_dma source(%dma_start3A_1275 : memref<16xi32, #tpu.memory_space<hbm>>) target(%arg10 : memref<16xi32, #tpu.memory_space<vmem>>) target_semaphore(%run_scoped3A : memref<!tpu.dma_semaphore, #tpu.memory_space<semaphore_mem>>)
          %dma_wait3A_1276 = arith.constant 64 : i32
          %dma_wait3A_1277 = tpu.memref_slice %arg2[%dma_wait3A_1276] : memref<200xi32, #tpu.memory_space<hbm>> -> memref<16xi32, #tpu.memory_space<hbm>>
          %dma_wait3A_1278 = arith.constant 64 : i32
          %dma_wait3A_1279 = tpu.memref_slice %arg2[%dma_wait3A_1278] : memref<200xi32, #tpu.memory_space<hbm>> -> memref<16xi32, #tpu.memory_space<hbm>>
          tpu.wait_dma2 semaphore(%run_scoped3A : memref<!tpu.dma_semaphore, #tpu.memory_space<semaphore_mem>>) src(%dma_wait3A_1279 : memref<16xi32, #tpu.memory_space<hbm>>) dst(%arg10 : memref<16xi32, #tpu.memory_space<vmem>>)
          tpu.yield
        }) : () -> ()
      } else {
      }
      %eq3A_36 = arith.constant 5 : i32
      %eq3A_37 = arith.cmpi eq, %arg1, %eq3A_36 : i32
      %convert_element_type3A_38 = arith.extui %eq3A_37 : i1 to i32
      %cond3A_39 = arith.constant 0 : i32
      %cond3A_40 = arith.cmpi ne, %convert_element_type3A_38, %cond3A_39 : i32
      scf.if %cond3A_40 {
        "tpu.region"() ({
          %run_scoped3A = tpu.sem_alloc : memref<!tpu.dma_semaphore, #tpu.memory_space<semaphore_mem>>
          %dma_start3A_1272 = arith.constant 80 : i32
          %dma_start3A_1273 = tpu.memref_slice %arg2[%dma_start3A_1272] : memref<200xi32, #tpu.memory_space<hbm>> -> memref<16xi32, #tpu.memory_space<hbm>>
          %dma_start3A_1274 = arith.constant 80 : i32
          %dma_start3A_1275 = tpu.memref_slice %arg2[%dma_start3A_1274] : memref<200xi32, #tpu.memory_space<hbm>> -> memref<16xi32, #tpu.memory_space<hbm>>
          tpu.enqueue_dma source(%dma_start3A_1275 : memref<16xi32, #tpu.memory_space<hbm>>) target(%arg10 : memref<16xi32, #tpu.memory_space<vmem>>) target_semaphore(%run_scoped3A : memref<!tpu.dma_semaphore, #tpu.memory_space<semaphore_mem>>)
          %dma_wait3A_1276 = arith.constant 80 : i32
          %dma_wait3A_1277 = tpu.memref_slice %arg2[%dma_wait3A_1276] : memref<200xi32, #tpu.memory_space<hbm>> -> memref<16xi32, #tpu.memory_space<hbm>>
          %dma_wait3A_1278 = arith.constant 80 : i32
          %dma_wait3A_1279 = tpu.memref_slice %arg2[%dma_wait3A_1278] : memref<200xi32, #tpu.memory_space<hbm>> -> memref<16xi32, #tpu.memory_space<hbm>>
          tpu.wait_dma2 semaphore(%run_scoped3A : memref<!tpu.dma_semaphore, #tpu.memory_space<semaphore_mem>>) src(%dma_wait3A_1279 : memref<16xi32, #tpu.memory_space<hbm>>) dst(%arg10 : memref<16xi32, #tpu.memory_space<vmem>>)
          tpu.yield
        }) : () -> ()
      } else {
      }
      %eq3A_41 = arith.constant 6 : i32
      %eq3A_42 = arith.cmpi eq, %arg1, %eq3A_41 : i32
      %convert_element_type3A_43 = arith.extui %eq3A_42 : i1 to i32
      %cond3A_44 = arith.constant 0 : i32
      %cond3A_45 = arith.cmpi ne, %convert_element_type3A_43, %cond3A_44 : i32
      scf.if %cond3A_45 {
        "tpu.region"() ({
          %run_scoped3A = tpu.sem_alloc : memref<!tpu.dma_semaphore, #tpu.memory_space<semaphore_mem>>
          %dma_start3A_1272 = arith.constant 96 : i32
          %dma_start3A_1273 = tpu.memref_slice %arg2[%dma_start3A_1272] : memref<200xi32, #tpu.memory_space<hbm>> -> memref<16xi32, #tpu.memory_space<hbm>>
          %dma_start3A_1274 = arith.constant 96 : i32
          %dma_start3A_1275 = tpu.memref_slice %arg2[%dma_start3A_1274] : memref<200xi32, #tpu.memory_space<hbm>> -> memref<16xi32, #tpu.memory_space<hbm>>
          tpu.enqueue_dma source(%dma_start3A_1275 : memref<16xi32, #tpu.memory_space<hbm>>) target(%arg10 : memref<16xi32, #tpu.memory_space<vmem>>) target_semaphore(%run_scoped3A : memref<!tpu.dma_semaphore, #tpu.memory_space<semaphore_mem>>)
          %dma_wait3A_1276 = arith.constant 96 : i32
          %dma_wait3A_1277 = tpu.memref_slice %arg2[%dma_wait3A_1276] : memref<200xi32, #tpu.memory_space<hbm>> -> memref<16xi32, #tpu.memory_space<hbm>>
          %dma_wait3A_1278 = arith.constant 96 : i32
          %dma_wait3A_1279 = tpu.memref_slice %arg2[%dma_wait3A_1278] : memref<200xi32, #tpu.memory_space<hbm>> -> memref<16xi32, #tpu.memory_space<hbm>>
          tpu.wait_dma2 semaphore(%run_scoped3A : memref<!tpu.dma_semaphore, #tpu.memory_space<semaphore_mem>>) src(%dma_wait3A_1279 : memref<16xi32, #tpu.memory_space<hbm>>) dst(%arg10 : memref<16xi32, #tpu.memory_space<vmem>>)
          tpu.yield
        }) : () -> ()
      } else {
      }
      %eq3A_46 = arith.constant 7 : i32
      %eq3A_47 = arith.cmpi eq, %arg1, %eq3A_46 : i32
      %convert_element_type3A_48 = arith.extui %eq3A_47 : i1 to i32
      %cond3A_49 = arith.constant 0 : i32
      %cond3A_50 = arith.cmpi ne, %convert_element_type3A_48, %cond3A_49 : i32
      scf.if %cond3A_50 {
        "tpu.region"() ({
          %run_scoped3A = tpu.sem_alloc : memref<!tpu.dma_semaphore, #tpu.memory_space<semaphore_mem>>
          %dma_start3A_1272 = arith.constant 112 : i32
          %dma_start3A_1273 = tpu.memref_slice %arg2[%dma_start3A_1272] : memref<200xi32, #tpu.memory_space<hbm>> -> memref<16xi32, #tpu.memory_space<hbm>>
          %dma_start3A_1274 = arith.constant 112 : i32
          %dma_start3A_1275 = tpu.memref_slice %arg2[%dma_start3A_1274] : memref<200xi32, #tpu.memory_space<hbm>> -> memref<16xi32, #tpu.memory_space<hbm>>
          tpu.enqueue_dma source(%dma_start3A_1275 : memref<16xi32, #tpu.memory_space<hbm>>) target(%arg10 : memref<16xi32, #tpu.memory_space<vmem>>) target_semaphore(%run_scoped3A : memref<!tpu.dma_semaphore, #tpu.memory_space<semaphore_mem>>)
          %dma_wait3A_1276 = arith.constant 112 : i32
          %dma_wait3A_1277 = tpu.memref_slice %arg2[%dma_wait3A_1276] : memref<200xi32, #tpu.memory_space<hbm>> -> memref<16xi32, #tpu.memory_space<hbm>>
          %dma_wait3A_1278 = arith.constant 112 : i32
          %dma_wait3A_1279 = tpu.memref_slice %arg2[%dma_wait3A_1278] : memref<200xi32, #tpu.memory_space<hbm>> -> memref<16xi32, #tpu.memory_space<hbm>>
          tpu.wait_dma2 semaphore(%run_scoped3A : memref<!tpu.dma_semaphore, #tpu.memory_space<semaphore_mem>>) src(%dma_wait3A_1279 : memref<16xi32, #tpu.memory_space<hbm>>) dst(%arg10 : memref<16xi32, #tpu.memory_space<vmem>>)
          tpu.yield
        }) : () -> ()
      } else {
      }
      %eq3A_51 = arith.constant 8 : i32
      %eq3A_52 = arith.cmpi eq, %arg1, %eq3A_51 : i32
      %convert_element_type3A_53 = arith.extui %eq3A_52 : i1 to i32
      %cond3A_54 = arith.constant 0 : i32
      %cond3A_55 = arith.cmpi ne, %convert_element_type3A_53, %cond3A_54 : i32
      scf.if %cond3A_55 {
        "tpu.region"() ({
          %run_scoped3A = tpu.sem_alloc : memref<!tpu.dma_semaphore, #tpu.memory_space<semaphore_mem>>
          %dma_start3A_1272 = arith.constant 128 : i32
          %dma_start3A_1273 = tpu.memref_slice %arg2[%dma_start3A_1272] : memref<200xi32, #tpu.memory_space<hbm>> -> memref<16xi32, #tpu.memory_space<hbm>>
          %dma_start3A_1274 = arith.constant 128 : i32
          %dma_start3A_1275 = tpu.memref_slice %arg2[%dma_start3A_1274] : memref<200xi32, #tpu.memory_space<hbm>> -> memref<16xi32, #tpu.memory_space<hbm>>
          tpu.enqueue_dma source(%dma_start3A_1275 : memref<16xi32, #tpu.memory_space<hbm>>) target(%arg10 : memref<16xi32, #tpu.memory_space<vmem>>) target_semaphore(%run_scoped3A : memref<!tpu.dma_semaphore, #tpu.memory_space<semaphore_mem>>)
          %dma_wait3A_1276 = arith.constant 128 : i32
          %dma_wait3A_1277 = tpu.memref_slice %arg2[%dma_wait3A_1276] : memref<200xi32, #tpu.memory_space<hbm>> -> memref<16xi32, #tpu.memory_space<hbm>>
          %dma_wait3A_1278 = arith.constant 128 : i32
          %dma_wait3A_1279 = tpu.memref_slice %arg2[%dma_wait3A_1278] : memref<200xi32, #tpu.memory_space<hbm>> -> memref<16xi32, #tpu.memory_space<hbm>>
          tpu.wait_dma2 semaphore(%run_scoped3A : memref<!tpu.dma_semaphore, #tpu.memory_space<semaphore_mem>>) src(%dma_wait3A_1279 : memref<16xi32, #tpu.memory_space<hbm>>) dst(%arg10 : memref<16xi32, #tpu.memory_space<vmem>>)
          tpu.yield
        }) : () -> ()
      } else {
      }
      %eq3A_56 = arith.constant 9 : i32
      %eq3A_57 = arith.cmpi eq, %arg1, %eq3A_56 : i32
      %convert_element_type3A_58 = arith.extui %eq3A_57 : i1 to i32
      %cond3A_59 = arith.constant 0 : i32
      %cond3A_60 = arith.cmpi ne, %convert_element_type3A_58, %cond3A_59 : i32
      scf.if %cond3A_60 {
        "tpu.region"() ({
          %run_scoped3A = tpu.sem_alloc : memref<!tpu.dma_semaphore, #tpu.memory_space<semaphore_mem>>
          %dma_start3A_1272 = arith.constant 144 : i32
          %dma_start3A_1273 = tpu.memref_slice %arg2[%dma_start3A_1272] : memref<200xi32, #tpu.memory_space<hbm>> -> memref<16xi32, #tpu.memory_space<hbm>>
          %dma_start3A_1274 = arith.constant 144 : i32
          %dma_start3A_1275 = tpu.memref_slice %arg2[%dma_start3A_1274] : memref<200xi32, #tpu.memory_space<hbm>> -> memref<16xi32, #tpu.memory_space<hbm>>
          tpu.enqueue_dma source(%dma_start3A_1275 : memref<16xi32, #tpu.memory_space<hbm>>) target(%arg10 : memref<16xi32, #tpu.memory_space<vmem>>) target_semaphore(%run_scoped3A : memref<!tpu.dma_semaphore, #tpu.memory_space<semaphore_mem>>)
          %dma_wait3A_1276 = arith.constant 144 : i32
          %dma_wait3A_1277 = tpu.memref_slice %arg2[%dma_wait3A_1276] : memref<200xi32, #tpu.memory_space<hbm>> -> memref<16xi32, #tpu.memory_space<hbm>>
          %dma_wait3A_1278 = arith.constant 144 : i32
          %dma_wait3A_1279 = tpu.memref_slice %arg2[%dma_wait3A_1278] : memref<200xi32, #tpu.memory_space<hbm>> -> memref<16xi32, #tpu.memory_space<hbm>>
          tpu.wait_dma2 semaphore(%run_scoped3A : memref<!tpu.dma_semaphore, #tpu.memory_space<semaphore_mem>>) src(%dma_wait3A_1279 : memref<16xi32, #tpu.memory_space<hbm>>) dst(%arg10 : memref<16xi32, #tpu.memory_space<vmem>>)
          tpu.yield
        }) : () -> ()
      } else {
      }
      %eq3A_61 = arith.constant 10 : i32
      %eq3A_62 = arith.cmpi eq, %arg1, %eq3A_61 : i32
      %convert_element_type3A_63 = arith.extui %eq3A_62 : i1 to i32
      %cond3A_64 = arith.constant 0 : i32
      %cond3A_65 = arith.cmpi ne, %convert_element_type3A_63, %cond3A_64 : i32
      scf.if %cond3A_65 {
        "tpu.region"() ({
          %run_scoped3A = tpu.sem_alloc : memref<!tpu.dma_semaphore, #tpu.memory_space<semaphore_mem>>
          %dma_start3A_1272 = arith.constant 160 : i32
          %dma_start3A_1273 = tpu.memref_slice %arg2[%dma_start3A_1272] : memref<200xi32, #tpu.memory_space<hbm>> -> memref<16xi32, #tpu.memory_space<hbm>>
          %dma_start3A_1274 = arith.constant 160 : i32
          %dma_start3A_1275 = tpu.memref_slice %arg2[%dma_start3A_1274] : memref<200xi32, #tpu.memory_space<hbm>> -> memref<16xi32, #tpu.memory_space<hbm>>
          tpu.enqueue_dma source(%dma_start3A_1275 : memref<16xi32, #tpu.memory_space<hbm>>) target(%arg10 : memref<16xi32, #tpu.memory_space<vmem>>) target_semaphore(%run_scoped3A : memref<!tpu.dma_semaphore, #tpu.memory_space<semaphore_mem>>)
          %dma_wait3A_1276 = arith.constant 160 : i32
          %dma_wait3A_1277 = tpu.memref_slice %arg2[%dma_wait3A_1276] : memref<200xi32, #tpu.memory_space<hbm>> -> memref<16xi32, #tpu.memory_space<hbm>>
          %dma_wait3A_1278 = arith.constant 160 : i32
          %dma_wait3A_1279 = tpu.memref_slice %arg2[%dma_wait3A_1278] : memref<200xi32, #tpu.memory_space<hbm>> -> memref<16xi32, #tpu.memory_space<hbm>>
          tpu.wait_dma2 semaphore(%run_scoped3A : memref<!tpu.dma_semaphore, #tpu.memory_space<semaphore_mem>>) src(%dma_wait3A_1279 : memref<16xi32, #tpu.memory_space<hbm>>) dst(%arg10 : memref<16xi32, #tpu.memory_space<vmem>>)
          tpu.yield
        }) : () -> ()
      } else {
      }
      %eq3A_66 = arith.constant 11 : i32
      %eq3A_67 = arith.cmpi eq, %arg1, %eq3A_66 : i32
      %convert_element_type3A_68 = arith.extui %eq3A_67 : i1 to i32
      %cond3A_69 = arith.constant 0 : i32
      %cond3A_70 = arith.cmpi ne, %convert_element_type3A_68, %cond3A_69 : i32
      scf.if %cond3A_70 {
        "tpu.region"() ({
          %run_scoped3A = tpu.sem_alloc : memref<!tpu.dma_semaphore, #tpu.memory_space<semaphore_mem>>
          %dma_start3A_1272 = arith.constant 176 : i32
          %dma_start3A_1273 = tpu.memref_slice %arg2[%dma_start3A_1272] : memref<200xi32, #tpu.memory_space<hbm>> -> memref<16xi32, #tpu.memory_space<hbm>>
          %dma_start3A_1274 = arith.constant 176 : i32
          %dma_start3A_1275 = tpu.memref_slice %arg2[%dma_start3A_1274] : memref<200xi32, #tpu.memory_space<hbm>> -> memref<16xi32, #tpu.memory_space<hbm>>
          tpu.enqueue_dma source(%dma_start3A_1275 : memref<16xi32, #tpu.memory_space<hbm>>) target(%arg10 : memref<16xi32, #tpu.memory_space<vmem>>) target_semaphore(%run_scoped3A : memref<!tpu.dma_semaphore, #tpu.memory_space<semaphore_mem>>)
          %dma_wait3A_1276 = arith.constant 176 : i32
          %dma_wait3A_1277 = tpu.memref_slice %arg2[%dma_wait3A_1276] : memref<200xi32, #tpu.memory_space<hbm>> -> memref<16xi32, #tpu.memory_space<hbm>>
          %dma_wait3A_1278 = arith.constant 176 : i32
          %dma_wait3A_1279 = tpu.memref_slice %arg2[%dma_wait3A_1278] : memref<200xi32, #tpu.memory_space<hbm>> -> memref<16xi32, #tpu.memory_space<hbm>>
          tpu.wait_dma2 semaphore(%run_scoped3A : memref<!tpu.dma_semaphore, #tpu.memory_space<semaphore_mem>>) src(%dma_wait3A_1279 : memref<16xi32, #tpu.memory_space<hbm>>) dst(%arg10 : memref<16xi32, #tpu.memory_space<vmem>>)
          tpu.yield
        }) : () -> ()
      } else {
      }
      %eq3A_71 = arith.constant 12 : i32
      %eq3A_72 = arith.cmpi eq, %arg1, %eq3A_71 : i32
      %convert_element_type3A_73 = arith.extui %eq3A_72 : i1 to i32
      %cond3A_74 = arith.constant 0 : i32
      %cond3A_75 = arith.cmpi ne, %convert_element_type3A_73, %cond3A_74 : i32
      scf.if %cond3A_75 {
        "tpu.region"() ({
          %run_scoped3A = tpu.sem_alloc : memref<!tpu.dma_semaphore, #tpu.memory_space<semaphore_mem>>
          %dma_start3A_1272 = arith.constant 184 : i32
          %dma_start3A_1273 = tpu.memref_slice %arg2[%dma_start3A_1272] : memref<200xi32, #tpu.memory_space<hbm>> -> memref<16xi32, #tpu.memory_space<hbm>>
          %dma_start3A_1274 = arith.constant 184 : i32
          %dma_start3A_1275 = tpu.memref_slice %arg2[%dma_start3A_1274] : memref<200xi32, #tpu.memory_space<hbm>> -> memref<16xi32, #tpu.memory_space<hbm>>
          tpu.enqueue_dma source(%dma_start3A_1275 : memref<16xi32, #tpu.memory_space<hbm>>) target(%arg10 : memref<16xi32, #tpu.memory_space<vmem>>) target_semaphore(%run_scoped3A : memref<!tpu.dma_semaphore, #tpu.memory_space<semaphore_mem>>)
          %dma_wait3A_1276 = arith.constant 184 : i32
          %dma_wait3A_1277 = tpu.memref_slice %arg2[%dma_wait3A_1276] : memref<200xi32, #tpu.memory_space<hbm>> -> memref<16xi32, #tpu.memory_space<hbm>>
          %dma_wait3A_1278 = arith.constant 184 : i32
          %dma_wait3A_1279 = tpu.memref_slice %arg2[%dma_wait3A_1278] : memref<200xi32, #tpu.memory_space<hbm>> -> memref<16xi32, #tpu.memory_space<hbm>>
          tpu.wait_dma2 semaphore(%run_scoped3A : memref<!tpu.dma_semaphore, #tpu.memory_space<semaphore_mem>>) src(%dma_wait3A_1279 : memref<16xi32, #tpu.memory_space<hbm>>) dst(%arg10 : memref<16xi32, #tpu.memory_space<vmem>>)
          tpu.yield
        }) : () -> ()
      } else {
      }
      %get3A = arith.constant 0 : index
      %get3A_76 = tpu.vector_load %arg10[%get3A] {strides = array<i32>} : memref<16xi32, #tpu.memory_space<vmem>>, vector<16xi32>,
      %iota3A = tpu.iota {dimensions = array<i32: 0>} : vector<16xi32>
      %broadcast_in_dim3A = arith.constant 0.000000e+00 : f32
      %broadcast_in_dim3A_77 = vector.broadcast %broadcast_in_dim3A : f32 to vector<16xf32>
      %broadcast_in_dim3A_78 = arith.constant 0.000000e+00 : f32
      %broadcast_in_dim3A_79 = vector.broadcast %broadcast_in_dim3A_78 : f32 to vector<16xf32>
      %broadcast_in_dim3A_80 = arith.constant 0.000000e+00 : f32
      %broadcast_in_dim3A_81 = vector.broadcast %broadcast_in_dim3A_80 : f32 to vector<16xf32>
      %broadcast_in_dim3A_82 = arith.constant 0.000000e+00 : f32
      %broadcast_in_dim3A_83 = vector.broadcast %broadcast_in_dim3A_82 : f32 to vector<16xf32>
      %eq3A_84 = arith.constant 12 : i32
      %eq3A_85 = arith.cmpi eq, %arg1, %eq3A_84 : i32
      %slice3A = vector.extract_strided_slice %get3A_76 {offsets = [0], sizes = [1], strides = [1]} : vector<16xi32> to vector<1xi32>
      %squeeze3A = vector.extract %slice3A[0] : i32 from vector<1xi32>
      %jit3A = arith.constant 128 : i32
      %div3A = arith.divsi %squeeze3A, %jit3A : i32
      %sign3A = arith.constant 0 : i32
      %sign3A_86 = arith.cmpi sgt, %squeeze3A, %sign3A : i32
      %sign3A_87 = arith.extui %sign3A_86 : i1 to i32
      %sign3A_88 = arith.constant 0 : i32
      %sign3A_89 = arith.cmpi slt, %squeeze3A, %sign3A_88 : i32
      %sign3A_90 = arith.extui %sign3A_89 : i1 to i32
      %sign3A_91 = arith.subi %sign3A_87, %sign3A_90 : i32
      %sign3A_92 = arith.constant 0 : i32
      %sign3A_93 = arith.cmpi sgt, %jit3A, %sign3A_92 : i32
      %sign3A_94 = arith.extui %sign3A_93 : i1 to i32
      %sign3A_95 = arith.constant 0 : i32
      %sign3A_96 = arith.cmpi slt, %jit3A, %sign3A_95 : i32
      %sign3A_97 = arith.extui %sign3A_96 : i1 to i32
      %sign3A_98 = arith.subi %sign3A_94, %sign3A_97 : i32
      %ne3A = arith.cmpi ne, %sign3A_91, %sign3A_98 : i32
      %rem3A = arith.remsi %squeeze3A, %jit3A : i32
      %ne3A_99 = arith.constant 0 : i32
      %ne3A_100 = arith.cmpi ne, %rem3A, %ne3A_99 : i32
      %and3A = arith.andi %ne3A, %ne3A_100 : i1
      %sub3A = arith.constant 1 : i32
      %sub3A_101 = arith.subi %div3A, %sub3A : i32
      %select_n3A = arith.select %and3A, %sub3A_101, %div3A : i32
      %mul3A = arith.constant 128 : i32
      %mul3A_102 = arith.muli %select_n3A, %mul3A : i32
      %multiple_of3A = tpu.assume_multiple %mul3A_102, 128 : i32
      %dma_start3A = arith.constant 0 : i32
      %dma_start3A_103 = arith.constant 0 : i32
      %dma_start3A_104 = arith.constant 0 : i32
      %dma_start3A_105 = tpu.memref_slice %arg9[%dma_start3A, %dma_start3A_103, %dma_start3A_104] : memref<16x16x128xf32, #tpu.memory_space<vmem>> -> memref<1x16x128xf32, #tpu.memory_space<vmem>>
      %dma_start3A_106 = tpu.memref_squeeze %dma_start3A_105 : memref<1x16x128xf32, #tpu.memory_space<vmem>> -> memref<16x128xf32, #tpu.memory_space<vmem>>
      %dma_start3A_107 = arith.constant 0 : i32
      %dma_start3A_108 = tpu.memref_slice %arg3[%dma_start3A_107, %multiple_of3A] : memref<16x1000000xf32, #tpu.memory_space<hbm>> -> memref<16x128xf32, #tpu.memory_space<hbm>>
      %dma_start3A_109 = arith.constant 0 : i32
      %dma_start3A_110 = arith.constant 0 : i32
      %dma_start3A_111 = tpu.memref_slice %arg9[%dma_start3A, %dma_start3A_109, %dma_start3A_110] : memref<16x16x128xf32, #tpu.memory_space<vmem>> -> memref<1x16x128xf32, #tpu.memory_space<vmem>>
      %dma_start3A_112 = tpu.memref_squeeze %dma_start3A_111 : memref<1x16x128xf32, #tpu.memory_space<vmem>> -> memref<16x128xf32, #tpu.memory_space<vmem>>
      %dma_start3A_113 = arith.constant 0 : i32
      %dma_start3A_114 = tpu.memref_slice %arg3[%dma_start3A_113, %multiple_of3A] : memref<16x1000000xf32, #tpu.memory_space<hbm>> -> memref<16x128xf32, #tpu.memory_space<hbm>>
      tpu.enqueue_dma source(%dma_start3A_114 : memref<16x128xf32, #tpu.memory_space<hbm>>) target(%dma_start3A_112 : memref<16x128xf32, #tpu.memory_space<vmem>>) target_semaphore(%arg16 : memref<!tpu.dma_semaphore, #tpu.memory_space<semaphore_mem>>)
      %slice3A_115 = vector.extract_strided_slice %get3A_76 {offsets = [1], sizes = [1], strides = [1]} : vector<16xi32> to vector<1xi32>
      %squeeze3A_116 = vector.extract %slice3A_115[0] : i32 from vector<1xi32>
      %jit3A_117 = arith.constant 128 : i32
      %div3A_118 = arith.divsi %squeeze3A_116, %jit3A_117 : i32
      %sign3A_119 = arith.constant 0 : i32
      %sign3A_120 = arith.cmpi sgt, %squeeze3A_116, %sign3A_119 : i32
      %sign3A_121 = arith.extui %sign3A_120 : i1 to i32
      %sign3A_122 = arith.constant 0 : i32
      %sign3A_123 = arith.cmpi slt, %squeeze3A_116, %sign3A_122 : i32
      %sign3A_124 = arith.extui %sign3A_123 : i1 to i32
      %sign3A_125 = arith.subi %sign3A_121, %sign3A_124 : i32
      %sign3A_126 = arith.constant 0 : i32
      %sign3A_127 = arith.cmpi sgt, %jit3A_117, %sign3A_126 : i32
      %sign3A_128 = arith.extui %sign3A_127 : i1 to i32
      %sign3A_129 = arith.constant 0 : i32
      %sign3A_130 = arith.cmpi slt, %jit3A_117, %sign3A_129 : i32
      %sign3A_131 = arith.extui %sign3A_130 : i1 to i32
      %sign3A_132 = arith.subi %sign3A_128, %sign3A_131 : i32
      %ne3A_133 = arith.cmpi ne, %sign3A_125, %sign3A_132 : i32
      %rem3A_134 = arith.remsi %squeeze3A_116, %jit3A_117 : i32
      %ne3A_135 = arith.constant 0 : i32
      %ne3A_136 = arith.cmpi ne, %rem3A_134, %ne3A_135 : i32
      %and3A_137 = arith.andi %ne3A_133, %ne3A_136 : i1
      %sub3A_138 = arith.constant 1 : i32
      %sub3A_139 = arith.subi %div3A_118, %sub3A_138 : i32
      %select_n3A_140 = arith.select %and3A_137, %sub3A_139, %div3A_118 : i32
      %mul3A_141 = arith.constant 128 : i32
      %mul3A_142 = arith.muli %select_n3A_140, %mul3A_141 : i32
      %multiple_of3A_143 = tpu.assume_multiple %mul3A_142, 128 : i32
      %dma_start3A_144 = arith.constant 1 : i32
      %dma_start3A_145 = arith.constant 0 : i32
      %dma_start3A_146 = arith.constant 0 : i32
      %dma_start3A_147 = tpu.memref_slice %arg9[%dma_start3A_144, %dma_start3A_145, %dma_start3A_146] : memref<16x16x128xf32, #tpu.memory_space<vmem>> -> memref<1x16x128xf32, #tpu.memory_space<vmem>>
      %dma_start3A_148 = tpu.memref_squeeze %dma_start3A_147 : memref<1x16x128xf32, #tpu.memory_space<vmem>> -> memref<16x128xf32, #tpu.memory_space<vmem>>
      %dma_start3A_149 = arith.constant 0 : i32
      %dma_start3A_150 = tpu.memref_slice %arg3[%dma_start3A_149, %multiple_of3A_143] : memref<16x1000000xf32, #tpu.memory_space<hbm>> -> memref<16x128xf32, #tpu.memory_space<hbm>>
      %dma_start3A_151 = arith.constant 0 : i32
      %dma_start3A_152 = arith.constant 0 : i32
      %dma_start3A_153 = tpu.memref_slice %arg9[%dma_start3A_144, %dma_start3A_151, %dma_start3A_152] : memref<16x16x128xf32, #tpu.memory_space<vmem>> -> memref<1x16x128xf32, #tpu.memory_space<vmem>>
      %dma_start3A_154 = tpu.memref_squeeze %dma_start3A_153 : memref<1x16x128xf32, #tpu.memory_space<vmem>> -> memref<16x128xf32, #tpu.memory_space<vmem>>
      %dma_start3A_155 = arith.constant 0 : i32
      %dma_start3A_156 = tpu.memref_slice %arg3[%dma_start3A_155, %multiple_of3A_143] : memref<16x1000000xf32, #tpu.memory_space<hbm>> -> memref<16x128xf32, #tpu.memory_space<hbm>>
      tpu.enqueue_dma source(%dma_start3A_156 : memref<16x128xf32, #tpu.memory_space<hbm>>) target(%dma_start3A_154 : memref<16x128xf32, #tpu.memory_space<vmem>>) target_semaphore(%arg16 : memref<!tpu.dma_semaphore, #tpu.memory_space<semaphore_mem>>)
      %slice3A_157 = vector.extract_strided_slice %get3A_76 {offsets = [2], sizes = [1], strides = [1]} : vector<16xi32> to vector<1xi32>
      %squeeze3A_158 = vector.extract %slice3A_157[0] : i32 from vector<1xi32>
      %jit3A_159 = arith.constant 128 : i32
      %div3A_160 = arith.divsi %squeeze3A_158, %jit3A_159 : i32
      %sign3A_161 = arith.constant 0 : i32
      %sign3A_162 = arith.cmpi sgt, %squeeze3A_158, %sign3A_161 : i32
      %sign3A_163 = arith.extui %sign3A_162 : i1 to i32
      %sign3A_164 = arith.constant 0 : i32
      %sign3A_165 = arith.cmpi slt, %squeeze3A_158, %sign3A_164 : i32
      %sign3A_166 = arith.extui %sign3A_165 : i1 to i32
      %sign3A_167 = arith.subi %sign3A_163, %sign3A_166 : i32
      %sign3A_168 = arith.constant 0 : i32
      %sign3A_169 = arith.cmpi sgt, %jit3A_159, %sign3A_168 : i32
      %sign3A_170 = arith.extui %sign3A_169 : i1 to i32
      %sign3A_171 = arith.constant 0 : i32
      %sign3A_172 = arith.cmpi slt, %jit3A_159, %sign3A_171 : i32
      %sign3A_173 = arith.extui %sign3A_172 : i1 to i32
      %sign3A_174 = arith.subi %sign3A_170, %sign3A_173 : i32
      %ne3A_175 = arith.cmpi ne, %sign3A_167, %sign3A_174 : i32
      %rem3A_176 = arith.remsi %squeeze3A_158, %jit3A_159 : i32
      %ne3A_177 = arith.constant 0 : i32
      %ne3A_178 = arith.cmpi ne, %rem3A_176, %ne3A_177 : i32
      %and3A_179 = arith.andi %ne3A_175, %ne3A_178 : i1
      %sub3A_180 = arith.constant 1 : i32
      %sub3A_181 = arith.subi %div3A_160, %sub3A_180 : i32
      %select_n3A_182 = arith.select %and3A_179, %sub3A_181, %div3A_160 : i32
      %mul3A_183 = arith.constant 128 : i32
      %mul3A_184 = arith.muli %select_n3A_182, %mul3A_183 : i32
      %multiple_of3A_185 = tpu.assume_multiple %mul3A_184, 128 : i32
      %dma_start3A_186 = arith.constant 2 : i32
      %dma_start3A_187 = arith.constant 0 : i32
      %dma_start3A_188 = arith.constant 0 : i32
      %dma_start3A_189 = tpu.memref_slice %arg9[%dma_start3A_186, %dma_start3A_187, %dma_start3A_188] : memref<16x16x128xf32, #tpu.memory_space<vmem>> -> memref<1x16x128xf32, #tpu.memory_space<vmem>>
      %dma_start3A_190 = tpu.memref_squeeze %dma_start3A_189 : memref<1x16x128xf32, #tpu.memory_space<vmem>> -> memref<16x128xf32, #tpu.memory_space<vmem>>
      %dma_start3A_191 = arith.constant 0 : i32
      %dma_start3A_192 = tpu.memref_slice %arg3[%dma_start3A_191, %multiple_of3A_185] : memref<16x1000000xf32, #tpu.memory_space<hbm>> -> memref<16x128xf32, #tpu.memory_space<hbm>>
      %dma_start3A_193 = arith.constant 0 : i32
      %dma_start3A_194 = arith.constant 0 : i32
      %dma_start3A_195 = tpu.memref_slice %arg9[%dma_start3A_186, %dma_start3A_193, %dma_start3A_194] : memref<16x16x128xf32, #tpu.memory_space<vmem>> -> memref<1x16x128xf32, #tpu.memory_space<vmem>>
      %dma_start3A_196 = tpu.memref_squeeze %dma_start3A_195 : memref<1x16x128xf32, #tpu.memory_space<vmem>> -> memref<16x128xf32, #tpu.memory_space<vmem>>
      %dma_start3A_197 = arith.constant 0 : i32
      %dma_start3A_198 = tpu.memref_slice %arg3[%dma_start3A_197, %multiple_of3A_185] : memref<16x1000000xf32, #tpu.memory_space<hbm>> -> memref<16x128xf32, #tpu.memory_space<hbm>>
      tpu.enqueue_dma source(%dma_start3A_198 : memref<16x128xf32, #tpu.memory_space<hbm>>) target(%dma_start3A_196 : memref<16x128xf32, #tpu.memory_space<vmem>>) target_semaphore(%arg16 : memref<!tpu.dma_semaphore, #tpu.memory_space<semaphore_mem>>)
      %slice3A_199 = vector.extract_strided_slice %get3A_76 {offsets = [3], sizes = [1], strides = [1]} : vector<16xi32> to vector<1xi32>
      %squeeze3A_200 = vector.extract %slice3A_199[0] : i32 from vector<1xi32>
      %jit3A_201 = arith.constant 128 : i32
      %div3A_202 = arith.divsi %squeeze3A_200, %jit3A_201 : i32
      %sign3A_203 = arith.constant 0 : i32
      %sign3A_204 = arith.cmpi sgt, %squeeze3A_200, %sign3A_203 : i32
      %sign3A_205 = arith.extui %sign3A_204 : i1 to i32
      %sign3A_206 = arith.constant 0 : i32
      %sign3A_207 = arith.cmpi slt, %squeeze3A_200, %sign3A_206 : i32
      %sign3A_208 = arith.extui %sign3A_207 : i1 to i32
      %sign3A_209 = arith.subi %sign3A_205, %sign3A_208 : i32
      %sign3A_210 = arith.constant 0 : i32
      %sign3A_211 = arith.cmpi sgt, %jit3A_201, %sign3A_210 : i32
      %sign3A_212 = arith.extui %sign3A_211 : i1 to i32
      %sign3A_213 = arith.constant 0 : i32
      %sign3A_214 = arith.cmpi slt, %jit3A_201, %sign3A_213 : i32
      %sign3A_215 = arith.extui %sign3A_214 : i1 to i32
      %sign3A_216 = arith.subi %sign3A_212, %sign3A_215 : i32
      %ne3A_217 = arith.cmpi ne, %sign3A_209, %sign3A_216 : i32
      %rem3A_218 = arith.remsi %squeeze3A_200, %jit3A_201 : i32
      %ne3A_219 = arith.constant 0 : i32
      %ne3A_220 = arith.cmpi ne, %rem3A_218, %ne3A_219 : i32
      %and3A_221 = arith.andi %ne3A_217, %ne3A_220 : i1
      %sub3A_222 = arith.constant 1 : i32
      %sub3A_223 = arith.subi %div3A_202, %sub3A_222 : i32
      %select_n3A_224 = arith.select %and3A_221, %sub3A_223, %div3A_202 : i32
      %mul3A_225 = arith.constant 128 : i32
      %mul3A_226 = arith.muli %select_n3A_224, %mul3A_225 : i32
      %multiple_of3A_227 = tpu.assume_multiple %mul3A_226, 128 : i32
      %dma_start3A_228 = arith.constant 3 : i32
      %dma_start3A_229 = arith.constant 0 : i32
      %dma_start3A_230 = arith.constant 0 : i32
      %dma_start3A_231 = tpu.memref_slice %arg9[%dma_start3A_228, %dma_start3A_229, %dma_start3A_230] : memref<16x16x128xf32, #tpu.memory_space<vmem>> -> memref<1x16x128xf32, #tpu.memory_space<vmem>>
      %dma_start3A_232 = tpu.memref_squeeze %dma_start3A_231 : memref<1x16x128xf32, #tpu.memory_space<vmem>> -> memref<16x128xf32, #tpu.memory_space<vmem>>
      %dma_start3A_233 = arith.constant 0 : i32
      %dma_start3A_234 = tpu.memref_slice %arg3[%dma_start3A_233, %multiple_of3A_227] : memref<16x1000000xf32, #tpu.memory_space<hbm>> -> memref<16x128xf32, #tpu.memory_space<hbm>>
      %dma_start3A_235 = arith.constant 0 : i32
      %dma_start3A_236 = arith.constant 0 : i32
      %dma_start3A_237 = tpu.memref_slice %arg9[%dma_start3A_228, %dma_start3A_235, %dma_start3A_236] : memref<16x16x128xf32, #tpu.memory_space<vmem>> -> memref<1x16x128xf32, #tpu.memory_space<vmem>>
      %dma_start3A_238 = tpu.memref_squeeze %dma_start3A_237 : memref<1x16x128xf32, #tpu.memory_space<vmem>> -> memref<16x128xf32, #tpu.memory_space<vmem>>
      %dma_start3A_239 = arith.constant 0 : i32
      %dma_start3A_240 = tpu.memref_slice %arg3[%dma_start3A_239, %multiple_of3A_227] : memref<16x1000000xf32, #tpu.memory_space<hbm>> -> memref<16x128xf32, #tpu.memory_space<hbm>>
      tpu.enqueue_dma source(%dma_start3A_240 : memref<16x128xf32, #tpu.memory_space<hbm>>) target(%dma_start3A_238 : memref<16x128xf32, #tpu.memory_space<vmem>>) target_semaphore(%arg16 : memref<!tpu.dma_semaphore, #tpu.memory_space<semaphore_mem>>)
      %slice3A_241 = vector.extract_strided_slice %get3A_76 {offsets = [4], sizes = [1], strides = [1]} : vector<16xi32> to vector<1xi32>
      %squeeze3A_242 = vector.extract %slice3A_241[0] : i32 from vector<1xi32>
      %jit3A_243 = arith.constant 128 : i32
      %div3A_244 = arith.divsi %squeeze3A_242, %jit3A_243 : i32
      %sign3A_245 = arith.constant 0 : i32
      %sign3A_246 = arith.cmpi sgt, %squeeze3A_242, %sign3A_245 : i32
      %sign3A_247 = arith.extui %sign3A_246 : i1 to i32
      %sign3A_248 = arith.constant 0 : i32
      %sign3A_249 = arith.cmpi slt, %squeeze3A_242, %sign3A_248 : i32
      %sign3A_250 = arith.extui %sign3A_249 : i1 to i32
      %sign3A_251 = arith.subi %sign3A_247, %sign3A_250 : i32
      %sign3A_252 = arith.constant 0 : i32
      %sign3A_253 = arith.cmpi sgt, %jit3A_243, %sign3A_252 : i32
      %sign3A_254 = arith.extui %sign3A_253 : i1 to i32
      %sign3A_255 = arith.constant 0 : i32
      %sign3A_256 = arith.cmpi slt, %jit3A_243, %sign3A_255 : i32
      %sign3A_257 = arith.extui %sign3A_256 : i1 to i32
      %sign3A_258 = arith.subi %sign3A_254, %sign3A_257 : i32
      %ne3A_259 = arith.cmpi ne, %sign3A_251, %sign3A_258 : i32
      %rem3A_260 = arith.remsi %squeeze3A_242, %jit3A_243 : i32
      %ne3A_261 = arith.constant 0 : i32
      %ne3A_262 = arith.cmpi ne, %rem3A_260, %ne3A_261 : i32
      %and3A_263 = arith.andi %ne3A_259, %ne3A_262 : i1
      %sub3A_264 = arith.constant 1 : i32
      %sub3A_265 = arith.subi %div3A_244, %sub3A_264 : i32
      %select_n3A_266 = arith.select %and3A_263, %sub3A_265, %div3A_244 : i32
      %mul3A_267 = arith.constant 128 : i32
      %mul3A_268 = arith.muli %select_n3A_266, %mul3A_267 : i32
      %multiple_of3A_269 = tpu.assume_multiple %mul3A_268, 128 : i32
      %dma_start3A_270 = arith.constant 4 : i32
      %dma_start3A_271 = arith.constant 0 : i32
      %dma_start3A_272 = arith.constant 0 : i32
      %dma_start3A_273 = tpu.memref_slice %arg9[%dma_start3A_270, %dma_start3A_271, %dma_start3A_272] : memref<16x16x128xf32, #tpu.memory_space<vmem>> -> memref<1x16x128xf32, #tpu.memory_space<vmem>>
      %dma_start3A_274 = tpu.memref_squeeze %dma_start3A_273 : memref<1x16x128xf32, #tpu.memory_space<vmem>> -> memref<16x128xf32, #tpu.memory_space<vmem>>
      %dma_start3A_275 = arith.constant 0 : i32
      %dma_start3A_276 = tpu.memref_slice %arg3[%dma_start3A_275, %multiple_of3A_269] : memref<16x1000000xf32, #tpu.memory_space<hbm>> -> memref<16x128xf32, #tpu.memory_space<hbm>>
      %dma_start3A_277 = arith.constant 0 : i32
      %dma_start3A_278 = arith.constant 0 : i32
      %dma_start3A_279 = tpu.memref_slice %arg9[%dma_start3A_270, %dma_start3A_277, %dma_start3A_278] : memref<16x16x128xf32, #tpu.memory_space<vmem>> -> memref<1x16x128xf32, #tpu.memory_space<vmem>>
      %dma_start3A_280 = tpu.memref_squeeze %dma_start3A_279 : memref<1x16x128xf32, #tpu.memory_space<vmem>> -> memref<16x128xf32, #tpu.memory_space<vmem>>
      %dma_start3A_281 = arith.constant 0 : i32
      %dma_start3A_282 = tpu.memref_slice %arg3[%dma_start3A_281, %multiple_of3A_269] : memref<16x1000000xf32, #tpu.memory_space<hbm>> -> memref<16x128xf32, #tpu.memory_space<hbm>>
      tpu.enqueue_dma source(%dma_start3A_282 : memref<16x128xf32, #tpu.memory_space<hbm>>) target(%dma_start3A_280 : memref<16x128xf32, #tpu.memory_space<vmem>>) target_semaphore(%arg16 : memref<!tpu.dma_semaphore, #tpu.memory_space<semaphore_mem>>)
      %slice3A_283 = vector.extract_strided_slice %get3A_76 {offsets = [5], sizes = [1], strides = [1]} : vector<16xi32> to vector<1xi32>
      %squeeze3A_284 = vector.extract %slice3A_283[0] : i32 from vector<1xi32>
      %jit3A_285 = arith.constant 128 : i32
      %div3A_286 = arith.divsi %squeeze3A_284, %jit3A_285 : i32
      %sign3A_287 = arith.constant 0 : i32
      %sign3A_288 = arith.cmpi sgt, %squeeze3A_284, %sign3A_287 : i32
      %sign3A_289 = arith.extui %sign3A_288 : i1 to i32
      %sign3A_290 = arith.constant 0 : i32
      %sign3A_291 = arith.cmpi slt, %squeeze3A_284, %sign3A_290 : i32
      %sign3A_292 = arith.extui %sign3A_291 : i1 to i32
      %sign3A_293 = arith.subi %sign3A_289, %sign3A_292 : i32
      %sign3A_294 = arith.constant 0 : i32
      %sign3A_295 = arith.cmpi sgt, %jit3A_285, %sign3A_294 : i32
      %sign3A_296 = arith.extui %sign3A_295 : i1 to i32
      %sign3A_297 = arith.constant 0 : i32
      %sign3A_298 = arith.cmpi slt, %jit3A_285, %sign3A_297 : i32
      %sign3A_299 = arith.extui %sign3A_298 : i1 to i32
      %sign3A_300 = arith.subi %sign3A_296, %sign3A_299 : i32
      %ne3A_301 = arith.cmpi ne, %sign3A_293, %sign3A_300 : i32
      %rem3A_302 = arith.remsi %squeeze3A_284, %jit3A_285 : i32
      %ne3A_303 = arith.constant 0 : i32
      %ne3A_304 = arith.cmpi ne, %rem3A_302, %ne3A_303 : i32
      %and3A_305 = arith.andi %ne3A_301, %ne3A_304 : i1
      %sub3A_306 = arith.constant 1 : i32
      %sub3A_307 = arith.subi %div3A_286, %sub3A_306 : i32
      %select_n3A_308 = arith.select %and3A_305, %sub3A_307, %div3A_286 : i32
      %mul3A_309 = arith.constant 128 : i32
      %mul3A_310 = arith.muli %select_n3A_308, %mul3A_309 : i32
      %multiple_of3A_311 = tpu.assume_multiple %mul3A_310, 128 : i32
      %dma_start3A_312 = arith.constant 5 : i32
      %dma_start3A_313 = arith.constant 0 : i32
      %dma_start3A_314 = arith.constant 0 : i32
      %dma_start3A_315 = tpu.memref_slice %arg9[%dma_start3A_312, %dma_start3A_313, %dma_start3A_314] : memref<16x16x128xf32, #tpu.memory_space<vmem>> -> memref<1x16x128xf32, #tpu.memory_space<vmem>>
      %dma_start3A_316 = tpu.memref_squeeze %dma_start3A_315 : memref<1x16x128xf32, #tpu.memory_space<vmem>> -> memref<16x128xf32, #tpu.memory_space<vmem>>
      %dma_start3A_317 = arith.constant 0 : i32
      %dma_start3A_318 = tpu.memref_slice %arg3[%dma_start3A_317, %multiple_of3A_311] : memref<16x1000000xf32, #tpu.memory_space<hbm>> -> memref<16x128xf32, #tpu.memory_space<hbm>>
      %dma_start3A_319 = arith.constant 0 : i32
      %dma_start3A_320 = arith.constant 0 : i32
      %dma_start3A_321 = tpu.memref_slice %arg9[%dma_start3A_312, %dma_start3A_319, %dma_start3A_320] : memref<16x16x128xf32, #tpu.memory_space<vmem>> -> memref<1x16x128xf32, #tpu.memory_space<vmem>>
      %dma_start3A_322 = tpu.memref_squeeze %dma_start3A_321 : memref<1x16x128xf32, #tpu.memory_space<vmem>> -> memref<16x128xf32, #tpu.memory_space<vmem>>
      %dma_start3A_323 = arith.constant 0 : i32
      %dma_start3A_324 = tpu.memref_slice %arg3[%dma_start3A_323, %multiple_of3A_311] : memref<16x1000000xf32, #tpu.memory_space<hbm>> -> memref<16x128xf32, #tpu.memory_space<hbm>>
      tpu.enqueue_dma source(%dma_start3A_324 : memref<16x128xf32, #tpu.memory_space<hbm>>) target(%dma_start3A_322 : memref<16x128xf32, #tpu.memory_space<vmem>>) target_semaphore(%arg16 : memref<!tpu.dma_semaphore, #tpu.memory_space<semaphore_mem>>)
      %slice3A_325 = vector.extract_strided_slice %get3A_76 {offsets = [6], sizes = [1], strides = [1]} : vector<16xi32> to vector<1xi32>
      %squeeze3A_326 = vector.extract %slice3A_325[0] : i32 from vector<1xi32>
      %jit3A_327 = arith.constant 128 : i32
      %div3A_328 = arith.divsi %squeeze3A_326, %jit3A_327 : i32
      %sign3A_329 = arith.constant 0 : i32
      %sign3A_330 = arith.cmpi sgt, %squeeze3A_326, %sign3A_329 : i32
      %sign3A_331 = arith.extui %sign3A_330 : i1 to i32
      %sign3A_332 = arith.constant 0 : i32
      %sign3A_333 = arith.cmpi slt, %squeeze3A_326, %sign3A_332 : i32
      %sign3A_334 = arith.extui %sign3A_333 : i1 to i32
      %sign3A_335 = arith.subi %sign3A_331, %sign3A_334 : i32
      %sign3A_336 = arith.constant 0 : i32
      %sign3A_337 = arith.cmpi sgt, %jit3A_327, %sign3A_336 : i32
      %sign3A_338 = arith.extui %sign3A_337 : i1 to i32
      %sign3A_339 = arith.constant 0 : i32
      %sign3A_340 = arith.cmpi slt, %jit3A_327, %sign3A_339 : i32
      %sign3A_341 = arith.extui %sign3A_340 : i1 to i32
      %sign3A_342 = arith.subi %sign3A_338, %sign3A_341 : i32
      %ne3A_343 = arith.cmpi ne, %sign3A_335, %sign3A_342 : i32
      %rem3A_344 = arith.remsi %squeeze3A_326, %jit3A_327 : i32
      %ne3A_345 = arith.constant 0 : i32
      %ne3A_346 = arith.cmpi ne, %rem3A_344, %ne3A_345 : i32
      %and3A_347 = arith.andi %ne3A_343, %ne3A_346 : i1
      %sub3A_348 = arith.constant 1 : i32
      %sub3A_349 = arith.subi %div3A_328, %sub3A_348 : i32
      %select_n3A_350 = arith.select %and3A_347, %sub3A_349, %div3A_328 : i32
      %mul3A_351 = arith.constant 128 : i32
      %mul3A_352 = arith.muli %select_n3A_350, %mul3A_351 : i32
      %multiple_of3A_353 = tpu.assume_multiple %mul3A_352, 128 : i32
      %dma_start3A_354 = arith.constant 6 : i32
      %dma_start3A_355 = arith.constant 0 : i32
      %dma_start3A_356 = arith.constant 0 : i32
      %dma_start3A_357 = tpu.memref_slice %arg9[%dma_start3A_354, %dma_start3A_355, %dma_start3A_356] : memref<16x16x128xf32, #tpu.memory_space<vmem>> -> memref<1x16x128xf32, #tpu.memory_space<vmem>>
      %dma_start3A_358 = tpu.memref_squeeze %dma_start3A_357 : memref<1x16x128xf32, #tpu.memory_space<vmem>> -> memref<16x128xf32, #tpu.memory_space<vmem>>
      %dma_start3A_359 = arith.constant 0 : i32
      %dma_start3A_360 = tpu.memref_slice %arg3[%dma_start3A_359, %multiple_of3A_353] : memref<16x1000000xf32, #tpu.memory_space<hbm>> -> memref<16x128xf32, #tpu.memory_space<hbm>>
      %dma_start3A_361 = arith.constant 0 : i32
      %dma_start3A_362 = arith.constant 0 : i32
      %dma_start3A_363 = tpu.memref_slice %arg9[%dma_start3A_354, %dma_start3A_361, %dma_start3A_362] : memref<16x16x128xf32, #tpu.memory_space<vmem>> -> memref<1x16x128xf32, #tpu.memory_space<vmem>>
      %dma_start3A_364 = tpu.memref_squeeze %dma_start3A_363 : memref<1x16x128xf32, #tpu.memory_space<vmem>> -> memref<16x128xf32, #tpu.memory_space<vmem>>
      %dma_start3A_365 = arith.constant 0 : i32
      %dma_start3A_366 = tpu.memref_slice %arg3[%dma_start3A_365, %multiple_of3A_353] : memref<16x1000000xf32, #tpu.memory_space<hbm>> -> memref<16x128xf32, #tpu.memory_space<hbm>>
      tpu.enqueue_dma source(%dma_start3A_366 : memref<16x128xf32, #tpu.memory_space<hbm>>) target(%dma_start3A_364 : memref<16x128xf32, #tpu.memory_space<vmem>>) target_semaphore(%arg16 : memref<!tpu.dma_semaphore, #tpu.memory_space<semaphore_mem>>)
      %slice3A_367 = vector.extract_strided_slice %get3A_76 {offsets = [7], sizes = [1], strides = [1]} : vector<16xi32> to vector<1xi32>
      %squeeze3A_368 = vector.extract %slice3A_367[0] : i32 from vector<1xi32>
      %jit3A_369 = arith.constant 128 : i32
      %div3A_370 = arith.divsi %squeeze3A_368, %jit3A_369 : i32
      %sign3A_371 = arith.constant 0 : i32
      %sign3A_372 = arith.cmpi sgt, %squeeze3A_368, %sign3A_371 : i32
      %sign3A_373 = arith.extui %sign3A_372 : i1 to i32
      %sign3A_374 = arith.constant 0 : i32
      %sign3A_375 = arith.cmpi slt, %squeeze3A_368, %sign3A_374 : i32
      %sign3A_376 = arith.extui %sign3A_375 : i1 to i32
      %sign3A_377 = arith.subi %sign3A_373, %sign3A_376 : i32
      %sign3A_378 = arith.constant 0 : i32
      %sign3A_379 = arith.cmpi sgt, %jit3A_369, %sign3A_378 : i32
      %sign3A_380 = arith.extui %sign3A_379 : i1 to i32
      %sign3A_381 = arith.constant 0 : i32
      %sign3A_382 = arith.cmpi slt, %jit3A_369, %sign3A_381 : i32
      %sign3A_383 = arith.extui %sign3A_382 : i1 to i32
      %sign3A_384 = arith.subi %sign3A_380, %sign3A_383 : i32
      %ne3A_385 = arith.cmpi ne, %sign3A_377, %sign3A_384 : i32
      %rem3A_386 = arith.remsi %squeeze3A_368, %jit3A_369 : i32
      %ne3A_387 = arith.constant 0 : i32
      %ne3A_388 = arith.cmpi ne, %rem3A_386, %ne3A_387 : i32
      %and3A_389 = arith.andi %ne3A_385, %ne3A_388 : i1
      %sub3A_390 = arith.constant 1 : i32
      %sub3A_391 = arith.subi %div3A_370, %sub3A_390 : i32
      %select_n3A_392 = arith.select %and3A_389, %sub3A_391, %div3A_370 : i32
      %mul3A_393 = arith.constant 128 : i32
      %mul3A_394 = arith.muli %select_n3A_392, %mul3A_393 : i32
      %multiple_of3A_395 = tpu.assume_multiple %mul3A_394, 128 : i32
      %dma_start3A_396 = arith.constant 7 : i32
      %dma_start3A_397 = arith.constant 0 : i32
      %dma_start3A_398 = arith.constant 0 : i32
      %dma_start3A_399 = tpu.memref_slice %arg9[%dma_start3A_396, %dma_start3A_397, %dma_start3A_398] : memref<16x16x128xf32, #tpu.memory_space<vmem>> -> memref<1x16x128xf32, #tpu.memory_space<vmem>>
      %dma_start3A_400 = tpu.memref_squeeze %dma_start3A_399 : memref<1x16x128xf32, #tpu.memory_space<vmem>> -> memref<16x128xf32, #tpu.memory_space<vmem>>
      %dma_start3A_401 = arith.constant 0 : i32
      %dma_start3A_402 = tpu.memref_slice %arg3[%dma_start3A_401, %multiple_of3A_395] : memref<16x1000000xf32, #tpu.memory_space<hbm>> -> memref<16x128xf32, #tpu.memory_space<hbm>>
      %dma_start3A_403 = arith.constant 0 : i32
      %dma_start3A_404 = arith.constant 0 : i32
      %dma_start3A_405 = tpu.memref_slice %arg9[%dma_start3A_396, %dma_start3A_403, %dma_start3A_404] : memref<16x16x128xf32, #tpu.memory_space<vmem>> -> memref<1x16x128xf32, #tpu.memory_space<vmem>>
      %dma_start3A_406 = tpu.memref_squeeze %dma_start3A_405 : memref<1x16x128xf32, #tpu.memory_space<vmem>> -> memref<16x128xf32, #tpu.memory_space<vmem>>
      %dma_start3A_407 = arith.constant 0 : i32
      %dma_start3A_408 = tpu.memref_slice %arg3[%dma_start3A_407, %multiple_of3A_395] : memref<16x1000000xf32, #tpu.memory_space<hbm>> -> memref<16x128xf32, #tpu.memory_space<hbm>>
      tpu.enqueue_dma source(%dma_start3A_408 : memref<16x128xf32, #tpu.memory_space<hbm>>) target(%dma_start3A_406 : memref<16x128xf32, #tpu.memory_space<vmem>>) target_semaphore(%arg16 : memref<!tpu.dma_semaphore, #tpu.memory_space<semaphore_mem>>)
      %slice3A_409 = vector.extract_strided_slice %get3A_76 {offsets = [8], sizes = [1], strides = [1]} : vector<16xi32> to vector<1xi32>
      %squeeze3A_410 = vector.extract %slice3A_409[0] : i32 from vector<1xi32>
      %jit3A_411 = arith.constant 128 : i32
      %div3A_412 = arith.divsi %squeeze3A_410, %jit3A_411 : i32
      %sign3A_413 = arith.constant 0 : i32
      %sign3A_414 = arith.cmpi sgt, %squeeze3A_410, %sign3A_413 : i32
      %sign3A_415 = arith.extui %sign3A_414 : i1 to i32
      %sign3A_416 = arith.constant 0 : i32
      %sign3A_417 = arith.cmpi slt, %squeeze3A_410, %sign3A_416 : i32
      %sign3A_418 = arith.extui %sign3A_417 : i1 to i32
      %sign3A_419 = arith.subi %sign3A_415, %sign3A_418 : i32
      %sign3A_420 = arith.constant 0 : i32
      %sign3A_421 = arith.cmpi sgt, %jit3A_411, %sign3A_420 : i32
      %sign3A_422 = arith.extui %sign3A_421 : i1 to i32
      %sign3A_423 = arith.constant 0 : i32
      %sign3A_424 = arith.cmpi slt, %jit3A_411, %sign3A_423 : i32
      %sign3A_425 = arith.extui %sign3A_424 : i1 to i32
      %sign3A_426 = arith.subi %sign3A_422, %sign3A_425 : i32
      %ne3A_427 = arith.cmpi ne, %sign3A_419, %sign3A_426 : i32
      %rem3A_428 = arith.remsi %squeeze3A_410, %jit3A_411 : i32
      %ne3A_429 = arith.constant 0 : i32
      %ne3A_430 = arith.cmpi ne, %rem3A_428, %ne3A_429 : i32
      %and3A_431 = arith.andi %ne3A_427, %ne3A_430 : i1
      %sub3A_432 = arith.constant 1 : i32
      %sub3A_433 = arith.subi %div3A_412, %sub3A_432 : i32
      %select_n3A_434 = arith.select %and3A_431, %sub3A_433, %div3A_412 : i32
      %mul3A_435 = arith.constant 128 : i32
      %mul3A_436 = arith.muli %select_n3A_434, %mul3A_435 : i32
      %multiple_of3A_437 = tpu.assume_multiple %mul3A_436, 128 : i32
      %dma_start3A_438 = arith.constant 8 : i32
      %dma_start3A_439 = arith.constant 0 : i32
      %dma_start3A_440 = arith.constant 0 : i32
      %dma_start3A_441 = tpu.memref_slice %arg9[%dma_start3A_438, %dma_start3A_439, %dma_start3A_440] : memref<16x16x128xf32, #tpu.memory_space<vmem>> -> memref<1x16x128xf32, #tpu.memory_space<vmem>>
      %dma_start3A_442 = tpu.memref_squeeze %dma_start3A_441 : memref<1x16x128xf32, #tpu.memory_space<vmem>> -> memref<16x128xf32, #tpu.memory_space<vmem>>
      %dma_start3A_443 = arith.constant 0 : i32
      %dma_start3A_444 = tpu.memref_slice %arg3[%dma_start3A_443, %multiple_of3A_437] : memref<16x1000000xf32, #tpu.memory_space<hbm>> -> memref<16x128xf32, #tpu.memory_space<hbm>>
      %dma_start3A_445 = arith.constant 0 : i32
      %dma_start3A_446 = arith.constant 0 : i32
      %dma_start3A_447 = tpu.memref_slice %arg9[%dma_start3A_438, %dma_start3A_445, %dma_start3A_446] : memref<16x16x128xf32, #tpu.memory_space<vmem>> -> memref<1x16x128xf32, #tpu.memory_space<vmem>>
      %dma_start3A_448 = tpu.memref_squeeze %dma_start3A_447 : memref<1x16x128xf32, #tpu.memory_space<vmem>> -> memref<16x128xf32, #tpu.memory_space<vmem>>
      %dma_start3A_449 = arith.constant 0 : i32
      %dma_start3A_450 = tpu.memref_slice %arg3[%dma_start3A_449, %multiple_of3A_437] : memref<16x1000000xf32, #tpu.memory_space<hbm>> -> memref<16x128xf32, #tpu.memory_space<hbm>>
      tpu.enqueue_dma source(%dma_start3A_450 : memref<16x128xf32, #tpu.memory_space<hbm>>) target(%dma_start3A_448 : memref<16x128xf32, #tpu.memory_space<vmem>>) target_semaphore(%arg16 : memref<!tpu.dma_semaphore, #tpu.memory_space<semaphore_mem>>)
      %slice3A_451 = vector.extract_strided_slice %get3A_76 {offsets = [9], sizes = [1], strides = [1]} : vector<16xi32> to vector<1xi32>
      %squeeze3A_452 = vector.extract %slice3A_451[0] : i32 from vector<1xi32>
      %jit3A_453 = arith.constant 128 : i32
      %div3A_454 = arith.divsi %squeeze3A_452, %jit3A_453 : i32
      %sign3A_455 = arith.constant 0 : i32
      %sign3A_456 = arith.cmpi sgt, %squeeze3A_452, %sign3A_455 : i32
      %sign3A_457 = arith.extui %sign3A_456 : i1 to i32
      %sign3A_458 = arith.constant 0 : i32
      %sign3A_459 = arith.cmpi slt, %squeeze3A_452, %sign3A_458 : i32
      %sign3A_460 = arith.extui %sign3A_459 : i1 to i32
      %sign3A_461 = arith.subi %sign3A_457, %sign3A_460 : i32
      %sign3A_462 = arith.constant 0 : i32
      %sign3A_463 = arith.cmpi sgt, %jit3A_453, %sign3A_462 : i32
      %sign3A_464 = arith.extui %sign3A_463 : i1 to i32
      %sign3A_465 = arith.constant 0 : i32
      %sign3A_466 = arith.cmpi slt, %jit3A_453, %sign3A_465 : i32
      %sign3A_467 = arith.extui %sign3A_466 : i1 to i32
      %sign3A_468 = arith.subi %sign3A_464, %sign3A_467 : i32
      %ne3A_469 = arith.cmpi ne, %sign3A_461, %sign3A_468 : i32
      %rem3A_470 = arith.remsi %squeeze3A_452, %jit3A_453 : i32
      %ne3A_471 = arith.constant 0 : i32
      %ne3A_472 = arith.cmpi ne, %rem3A_470, %ne3A_471 : i32
      %and3A_473 = arith.andi %ne3A_469, %ne3A_472 : i1
      %sub3A_474 = arith.constant 1 : i32
      %sub3A_475 = arith.subi %div3A_454, %sub3A_474 : i32
      %select_n3A_476 = arith.select %and3A_473, %sub3A_475, %div3A_454 : i32
      %mul3A_477 = arith.constant 128 : i32
      %mul3A_478 = arith.muli %select_n3A_476, %mul3A_477 : i32
      %multiple_of3A_479 = tpu.assume_multiple %mul3A_478, 128 : i32
      %dma_start3A_480 = arith.constant 9 : i32
      %dma_start3A_481 = arith.constant 0 : i32
      %dma_start3A_482 = arith.constant 0 : i32
      %dma_start3A_483 = tpu.memref_slice %arg9[%dma_start3A_480, %dma_start3A_481, %dma_start3A_482] : memref<16x16x128xf32, #tpu.memory_space<vmem>> -> memref<1x16x128xf32, #tpu.memory_space<vmem>>
      %dma_start3A_484 = tpu.memref_squeeze %dma_start3A_483 : memref<1x16x128xf32, #tpu.memory_space<vmem>> -> memref<16x128xf32, #tpu.memory_space<vmem>>
      %dma_start3A_485 = arith.constant 0 : i32
      %dma_start3A_486 = tpu.memref_slice %arg3[%dma_start3A_485, %multiple_of3A_479] : memref<16x1000000xf32, #tpu.memory_space<hbm>> -> memref<16x128xf32, #tpu.memory_space<hbm>>
      %dma_start3A_487 = arith.constant 0 : i32
      %dma_start3A_488 = arith.constant 0 : i32
      %dma_start3A_489 = tpu.memref_slice %arg9[%dma_start3A_480, %dma_start3A_487, %dma_start3A_488] : memref<16x16x128xf32, #tpu.memory_space<vmem>> -> memref<1x16x128xf32, #tpu.memory_space<vmem>>
      %dma_start3A_490 = tpu.memref_squeeze %dma_start3A_489 : memref<1x16x128xf32, #tpu.memory_space<vmem>> -> memref<16x128xf32, #tpu.memory_space<vmem>>
      %dma_start3A_491 = arith.constant 0 : i32
      %dma_start3A_492 = tpu.memref_slice %arg3[%dma_start3A_491, %multiple_of3A_479] : memref<16x1000000xf32, #tpu.memory_space<hbm>> -> memref<16x128xf32, #tpu.memory_space<hbm>>
      tpu.enqueue_dma source(%dma_start3A_492 : memref<16x128xf32, #tpu.memory_space<hbm>>) target(%dma_start3A_490 : memref<16x128xf32, #tpu.memory_space<vmem>>) target_semaphore(%arg16 : memref<!tpu.dma_semaphore, #tpu.memory_space<semaphore_mem>>)
      %slice3A_493 = vector.extract_strided_slice %get3A_76 {offsets = [10], sizes = [1], strides = [1]} : vector<16xi32> to vector<1xi32>
      %squeeze3A_494 = vector.extract %slice3A_493[0] : i32 from vector<1xi32>
      %jit3A_495 = arith.constant 128 : i32
      %div3A_496 = arith.divsi %squeeze3A_494, %jit3A_495 : i32
      %sign3A_497 = arith.constant 0 : i32
      %sign3A_498 = arith.cmpi sgt, %squeeze3A_494, %sign3A_497 : i32
      %sign3A_499 = arith.extui %sign3A_498 : i1 to i32
      %sign3A_500 = arith.constant 0 : i32
      %sign3A_501 = arith.cmpi slt, %squeeze3A_494, %sign3A_500 : i32
      %sign3A_502 = arith.extui %sign3A_501 : i1 to i32
      %sign3A_503 = arith.subi %sign3A_499, %sign3A_502 : i32
      %sign3A_504 = arith.constant 0 : i32
      %sign3A_505 = arith.cmpi sgt, %jit3A_495, %sign3A_504 : i32
      %sign3A_506 = arith.extui %sign3A_505 : i1 to i32
      %sign3A_507 = arith.constant 0 : i32
      %sign3A_508 = arith.cmpi slt, %jit3A_495, %sign3A_507 : i32
      %sign3A_509 = arith.extui %sign3A_508 : i1 to i32
      %sign3A_510 = arith.subi %sign3A_506, %sign3A_509 : i32
      %ne3A_511 = arith.cmpi ne, %sign3A_503, %sign3A_510 : i32
      %rem3A_512 = arith.remsi %squeeze3A_494, %jit3A_495 : i32
      %ne3A_513 = arith.constant 0 : i32
      %ne3A_514 = arith.cmpi ne, %rem3A_512, %ne3A_513 : i32
      %and3A_515 = arith.andi %ne3A_511, %ne3A_514 : i1
      %sub3A_516 = arith.constant 1 : i32
      %sub3A_517 = arith.subi %div3A_496, %sub3A_516 : i32
      %select_n3A_518 = arith.select %and3A_515, %sub3A_517, %div3A_496 : i32
      %mul3A_519 = arith.constant 128 : i32
      %mul3A_520 = arith.muli %select_n3A_518, %mul3A_519 : i32
      %multiple_of3A_521 = tpu.assume_multiple %mul3A_520, 128 : i32
      %dma_start3A_522 = arith.constant 10 : i32
      %dma_start3A_523 = arith.constant 0 : i32
      %dma_start3A_524 = arith.constant 0 : i32
      %dma_start3A_525 = tpu.memref_slice %arg9[%dma_start3A_522, %dma_start3A_523, %dma_start3A_524] : memref<16x16x128xf32, #tpu.memory_space<vmem>> -> memref<1x16x128xf32, #tpu.memory_space<vmem>>
      %dma_start3A_526 = tpu.memref_squeeze %dma_start3A_525 : memref<1x16x128xf32, #tpu.memory_space<vmem>> -> memref<16x128xf32, #tpu.memory_space<vmem>>
      %dma_start3A_527 = arith.constant 0 : i32
      %dma_start3A_528 = tpu.memref_slice %arg3[%dma_start3A_527, %multiple_of3A_521] : memref<16x1000000xf32, #tpu.memory_space<hbm>> -> memref<16x128xf32, #tpu.memory_space<hbm>>
      %dma_start3A_529 = arith.constant 0 : i32
      %dma_start3A_530 = arith.constant 0 : i32
      %dma_start3A_531 = tpu.memref_slice %arg9[%dma_start3A_522, %dma_start3A_529, %dma_start3A_530] : memref<16x16x128xf32, #tpu.memory_space<vmem>> -> memref<1x16x128xf32, #tpu.memory_space<vmem>>
      %dma_start3A_532 = tpu.memref_squeeze %dma_start3A_531 : memref<1x16x128xf32, #tpu.memory_space<vmem>> -> memref<16x128xf32, #tpu.memory_space<vmem>>
      %dma_start3A_533 = arith.constant 0 : i32
      %dma_start3A_534 = tpu.memref_slice %arg3[%dma_start3A_533, %multiple_of3A_521] : memref<16x1000000xf32, #tpu.memory_space<hbm>> -> memref<16x128xf32, #tpu.memory_space<hbm>>
      tpu.enqueue_dma source(%dma_start3A_534 : memref<16x128xf32, #tpu.memory_space<hbm>>) target(%dma_start3A_532 : memref<16x128xf32, #tpu.memory_space<vmem>>) target_semaphore(%arg16 : memref<!tpu.dma_semaphore, #tpu.memory_space<semaphore_mem>>)
      %slice3A_535 = vector.extract_strided_slice %get3A_76 {offsets = [11], sizes = [1], strides = [1]} : vector<16xi32> to vector<1xi32>
      %squeeze3A_536 = vector.extract %slice3A_535[0] : i32 from vector<1xi32>
      %jit3A_537 = arith.constant 128 : i32
      %div3A_538 = arith.divsi %squeeze3A_536, %jit3A_537 : i32
      %sign3A_539 = arith.constant 0 : i32
      %sign3A_540 = arith.cmpi sgt, %squeeze3A_536, %sign3A_539 : i32
      %sign3A_541 = arith.extui %sign3A_540 : i1 to i32
      %sign3A_542 = arith.constant 0 : i32
      %sign3A_543 = arith.cmpi slt, %squeeze3A_536, %sign3A_542 : i32
      %sign3A_544 = arith.extui %sign3A_543 : i1 to i32
      %sign3A_545 = arith.subi %sign3A_541, %sign3A_544 : i32
      %sign3A_546 = arith.constant 0 : i32
      %sign3A_547 = arith.cmpi sgt, %jit3A_537, %sign3A_546 : i32
      %sign3A_548 = arith.extui %sign3A_547 : i1 to i32
      %sign3A_549 = arith.constant 0 : i32
      %sign3A_550 = arith.cmpi slt, %jit3A_537, %sign3A_549 : i32
      %sign3A_551 = arith.extui %sign3A_550 : i1 to i32
      %sign3A_552 = arith.subi %sign3A_548, %sign3A_551 : i32
      %ne3A_553 = arith.cmpi ne, %sign3A_545, %sign3A_552 : i32
      %rem3A_554 = arith.remsi %squeeze3A_536, %jit3A_537 : i32
      %ne3A_555 = arith.constant 0 : i32
      %ne3A_556 = arith.cmpi ne, %rem3A_554, %ne3A_555 : i32
      %and3A_557 = arith.andi %ne3A_553, %ne3A_556 : i1
      %sub3A_558 = arith.constant 1 : i32
      %sub3A_559 = arith.subi %div3A_538, %sub3A_558 : i32
      %select_n3A_560 = arith.select %and3A_557, %sub3A_559, %div3A_538 : i32
      %mul3A_561 = arith.constant 128 : i32
      %mul3A_562 = arith.muli %select_n3A_560, %mul3A_561 : i32
      %multiple_of3A_563 = tpu.assume_multiple %mul3A_562, 128 : i32
      %dma_start3A_564 = arith.constant 11 : i32
      %dma_start3A_565 = arith.constant 0 : i32
      %dma_start3A_566 = arith.constant 0 : i32
      %dma_start3A_567 = tpu.memref_slice %arg9[%dma_start3A_564, %dma_start3A_565, %dma_start3A_566] : memref<16x16x128xf32, #tpu.memory_space<vmem>> -> memref<1x16x128xf32, #tpu.memory_space<vmem>>
      %dma_start3A_568 = tpu.memref_squeeze %dma_start3A_567 : memref<1x16x128xf32, #tpu.memory_space<vmem>> -> memref<16x128xf32, #tpu.memory_space<vmem>>
      %dma_start3A_569 = arith.constant 0 : i32
      %dma_start3A_570 = tpu.memref_slice %arg3[%dma_start3A_569, %multiple_of3A_563] : memref<16x1000000xf32, #tpu.memory_space<hbm>> -> memref<16x128xf32, #tpu.memory_space<hbm>>
      %dma_start3A_571 = arith.constant 0 : i32
      %dma_start3A_572 = arith.constant 0 : i32
      %dma_start3A_573 = tpu.memref_slice %arg9[%dma_start3A_564, %dma_start3A_571, %dma_start3A_572] : memref<16x16x128xf32, #tpu.memory_space<vmem>> -> memref<1x16x128xf32, #tpu.memory_space<vmem>>
      %dma_start3A_574 = tpu.memref_squeeze %dma_start3A_573 : memref<1x16x128xf32, #tpu.memory_space<vmem>> -> memref<16x128xf32, #tpu.memory_space<vmem>>
      %dma_start3A_575 = arith.constant 0 : i32
      %dma_start3A_576 = tpu.memref_slice %arg3[%dma_start3A_575, %multiple_of3A_563] : memref<16x1000000xf32, #tpu.memory_space<hbm>> -> memref<16x128xf32, #tpu.memory_space<hbm>>
      tpu.enqueue_dma source(%dma_start3A_576 : memref<16x128xf32, #tpu.memory_space<hbm>>) target(%dma_start3A_574 : memref<16x128xf32, #tpu.memory_space<vmem>>) target_semaphore(%arg16 : memref<!tpu.dma_semaphore, #tpu.memory_space<semaphore_mem>>)
      %slice3A_577 = vector.extract_strided_slice %get3A_76 {offsets = [12], sizes = [1], strides = [1]} : vector<16xi32> to vector<1xi32>
      %squeeze3A_578 = vector.extract %slice3A_577[0] : i32 from vector<1xi32>
      %jit3A_579 = arith.constant 128 : i32
      %div3A_580 = arith.divsi %squeeze3A_578, %jit3A_579 : i32
      %sign3A_581 = arith.constant 0 : i32
      %sign3A_582 = arith.cmpi sgt, %squeeze3A_578, %sign3A_581 : i32
      %sign3A_583 = arith.extui %sign3A_582 : i1 to i32
      %sign3A_584 = arith.constant 0 : i32
      %sign3A_585 = arith.cmpi slt, %squeeze3A_578, %sign3A_584 : i32
      %sign3A_586 = arith.extui %sign3A_585 : i1 to i32
      %sign3A_587 = arith.subi %sign3A_583, %sign3A_586 : i32
      %sign3A_588 = arith.constant 0 : i32
      %sign3A_589 = arith.cmpi sgt, %jit3A_579, %sign3A_588 : i32
      %sign3A_590 = arith.extui %sign3A_589 : i1 to i32
      %sign3A_591 = arith.constant 0 : i32
      %sign3A_592 = arith.cmpi slt, %jit3A_579, %sign3A_591 : i32
      %sign3A_593 = arith.extui %sign3A_592 : i1 to i32
      %sign3A_594 = arith.subi %sign3A_590, %sign3A_593 : i32
      %ne3A_595 = arith.cmpi ne, %sign3A_587, %sign3A_594 : i32
      %rem3A_596 = arith.remsi %squeeze3A_578, %jit3A_579 : i32
      %ne3A_597 = arith.constant 0 : i32
      %ne3A_598 = arith.cmpi ne, %rem3A_596, %ne3A_597 : i32
      %and3A_599 = arith.andi %ne3A_595, %ne3A_598 : i1
      %sub3A_600 = arith.constant 1 : i32
      %sub3A_601 = arith.subi %div3A_580, %sub3A_600 : i32
      %select_n3A_602 = arith.select %and3A_599, %sub3A_601, %div3A_580 : i32
      %mul3A_603 = arith.constant 128 : i32
      %mul3A_604 = arith.muli %select_n3A_602, %mul3A_603 : i32
      %multiple_of3A_605 = tpu.assume_multiple %mul3A_604, 128 : i32
      %dma_start3A_606 = arith.constant 12 : i32
      %dma_start3A_607 = arith.constant 0 : i32
      %dma_start3A_608 = arith.constant 0 : i32
      %dma_start3A_609 = tpu.memref_slice %arg9[%dma_start3A_606, %dma_start3A_607, %dma_start3A_608] : memref<16x16x128xf32, #tpu.memory_space<vmem>> -> memref<1x16x128xf32, #tpu.memory_space<vmem>>
      %dma_start3A_610 = tpu.memref_squeeze %dma_start3A_609 : memref<1x16x128xf32, #tpu.memory_space<vmem>> -> memref<16x128xf32, #tpu.memory_space<vmem>>
      %dma_start3A_611 = arith.constant 0 : i32
      %dma_start3A_612 = tpu.memref_slice %arg3[%dma_start3A_611, %multiple_of3A_605] : memref<16x1000000xf32, #tpu.memory_space<hbm>> -> memref<16x128xf32, #tpu.memory_space<hbm>>
      %dma_start3A_613 = arith.constant 0 : i32
      %dma_start3A_614 = arith.constant 0 : i32
      %dma_start3A_615 = tpu.memref_slice %arg9[%dma_start3A_606, %dma_start3A_613, %dma_start3A_614] : memref<16x16x128xf32, #tpu.memory_space<vmem>> -> memref<1x16x128xf32, #tpu.memory_space<vmem>>
      %dma_start3A_616 = tpu.memref_squeeze %dma_start3A_615 : memref<1x16x128xf32, #tpu.memory_space<vmem>> -> memref<16x128xf32, #tpu.memory_space<vmem>>
      %dma_start3A_617 = arith.constant 0 : i32
      %dma_start3A_618 = tpu.memref_slice %arg3[%dma_start3A_617, %multiple_of3A_605] : memref<16x1000000xf32, #tpu.memory_space<hbm>> -> memref<16x128xf32, #tpu.memory_space<hbm>>
      tpu.enqueue_dma source(%dma_start3A_618 : memref<16x128xf32, #tpu.memory_space<hbm>>) target(%dma_start3A_616 : memref<16x128xf32, #tpu.memory_space<vmem>>) target_semaphore(%arg16 : memref<!tpu.dma_semaphore, #tpu.memory_space<semaphore_mem>>)
      %slice3A_619 = vector.extract_strided_slice %get3A_76 {offsets = [13], sizes = [1], strides = [1]} : vector<16xi32> to vector<1xi32>
      %squeeze3A_620 = vector.extract %slice3A_619[0] : i32 from vector<1xi32>
      %jit3A_621 = arith.constant 128 : i32
      %div3A_622 = arith.divsi %squeeze3A_620, %jit3A_621 : i32
      %sign3A_623 = arith.constant 0 : i32
      %sign3A_624 = arith.cmpi sgt, %squeeze3A_620, %sign3A_623 : i32
      %sign3A_625 = arith.extui %sign3A_624 : i1 to i32
      %sign3A_626 = arith.constant 0 : i32
      %sign3A_627 = arith.cmpi slt, %squeeze3A_620, %sign3A_626 : i32
      %sign3A_628 = arith.extui %sign3A_627 : i1 to i32
      %sign3A_629 = arith.subi %sign3A_625, %sign3A_628 : i32
      %sign3A_630 = arith.constant 0 : i32
      %sign3A_631 = arith.cmpi sgt, %jit3A_621, %sign3A_630 : i32
      %sign3A_632 = arith.extui %sign3A_631 : i1 to i32
      %sign3A_633 = arith.constant 0 : i32
      %sign3A_634 = arith.cmpi slt, %jit3A_621, %sign3A_633 : i32
      %sign3A_635 = arith.extui %sign3A_634 : i1 to i32
      %sign3A_636 = arith.subi %sign3A_632, %sign3A_635 : i32
      %ne3A_637 = arith.cmpi ne, %sign3A_629, %sign3A_636 : i32
      %rem3A_638 = arith.remsi %squeeze3A_620, %jit3A_621 : i32
      %ne3A_639 = arith.constant 0 : i32
      %ne3A_640 = arith.cmpi ne, %rem3A_638, %ne3A_639 : i32
      %and3A_641 = arith.andi %ne3A_637, %ne3A_640 : i1
      %sub3A_642 = arith.constant 1 : i32
      %sub3A_643 = arith.subi %div3A_622, %sub3A_642 : i32
      %select_n3A_644 = arith.select %and3A_641, %sub3A_643, %div3A_622 : i32
      %mul3A_645 = arith.constant 128 : i32
      %mul3A_646 = arith.muli %select_n3A_644, %mul3A_645 : i32
      %multiple_of3A_647 = tpu.assume_multiple %mul3A_646, 128 : i32
      %dma_start3A_648 = arith.constant 13 : i32
      %dma_start3A_649 = arith.constant 0 : i32
      %dma_start3A_650 = arith.constant 0 : i32
      %dma_start3A_651 = tpu.memref_slice %arg9[%dma_start3A_648, %dma_start3A_649, %dma_start3A_650] : memref<16x16x128xf32, #tpu.memory_space<vmem>> -> memref<1x16x128xf32, #tpu.memory_space<vmem>>
      %dma_start3A_652 = tpu.memref_squeeze %dma_start3A_651 : memref<1x16x128xf32, #tpu.memory_space<vmem>> -> memref<16x128xf32, #tpu.memory_space<vmem>>
      %dma_start3A_653 = arith.constant 0 : i32
      %dma_start3A_654 = tpu.memref_slice %arg3[%dma_start3A_653, %multiple_of3A_647] : memref<16x1000000xf32, #tpu.memory_space<hbm>> -> memref<16x128xf32, #tpu.memory_space<hbm>>
      %dma_start3A_655 = arith.constant 0 : i32
      %dma_start3A_656 = arith.constant 0 : i32
      %dma_start3A_657 = tpu.memref_slice %arg9[%dma_start3A_648, %dma_start3A_655, %dma_start3A_656] : memref<16x16x128xf32, #tpu.memory_space<vmem>> -> memref<1x16x128xf32, #tpu.memory_space<vmem>>
      %dma_start3A_658 = tpu.memref_squeeze %dma_start3A_657 : memref<1x16x128xf32, #tpu.memory_space<vmem>> -> memref<16x128xf32, #tpu.memory_space<vmem>>
      %dma_start3A_659 = arith.constant 0 : i32
      %dma_start3A_660 = tpu.memref_slice %arg3[%dma_start3A_659, %multiple_of3A_647] : memref<16x1000000xf32, #tpu.memory_space<hbm>> -> memref<16x128xf32, #tpu.memory_space<hbm>>
      tpu.enqueue_dma source(%dma_start3A_660 : memref<16x128xf32, #tpu.memory_space<hbm>>) target(%dma_start3A_658 : memref<16x128xf32, #tpu.memory_space<vmem>>) target_semaphore(%arg16 : memref<!tpu.dma_semaphore, #tpu.memory_space<semaphore_mem>>)
      %slice3A_661 = vector.extract_strided_slice %get3A_76 {offsets = [14], sizes = [1], strides = [1]} : vector<16xi32> to vector<1xi32>
      %squeeze3A_662 = vector.extract %slice3A_661[0] : i32 from vector<1xi32>
      %jit3A_663 = arith.constant 128 : i32
      %div3A_664 = arith.divsi %squeeze3A_662, %jit3A_663 : i32
      %sign3A_665 = arith.constant 0 : i32
      %sign3A_666 = arith.cmpi sgt, %squeeze3A_662, %sign3A_665 : i32
      %sign3A_667 = arith.extui %sign3A_666 : i1 to i32
      %sign3A_668 = arith.constant 0 : i32
      %sign3A_669 = arith.cmpi slt, %squeeze3A_662, %sign3A_668 : i32
      %sign3A_670 = arith.extui %sign3A_669 : i1 to i32
      %sign3A_671 = arith.subi %sign3A_667, %sign3A_670 : i32
      %sign3A_672 = arith.constant 0 : i32
      %sign3A_673 = arith.cmpi sgt, %jit3A_663, %sign3A_672 : i32
      %sign3A_674 = arith.extui %sign3A_673 : i1 to i32
      %sign3A_675 = arith.constant 0 : i32
      %sign3A_676 = arith.cmpi slt, %jit3A_663, %sign3A_675 : i32
      %sign3A_677 = arith.extui %sign3A_676 : i1 to i32
      %sign3A_678 = arith.subi %sign3A_674, %sign3A_677 : i32
      %ne3A_679 = arith.cmpi ne, %sign3A_671, %sign3A_678 : i32
      %rem3A_680 = arith.remsi %squeeze3A_662, %jit3A_663 : i32
      %ne3A_681 = arith.constant 0 : i32
      %ne3A_682 = arith.cmpi ne, %rem3A_680, %ne3A_681 : i32
      %and3A_683 = arith.andi %ne3A_679, %ne3A_682 : i1
      %sub3A_684 = arith.constant 1 : i32
      %sub3A_685 = arith.subi %div3A_664, %sub3A_684 : i32
      %select_n3A_686 = arith.select %and3A_683, %sub3A_685, %div3A_664 : i32
      %mul3A_687 = arith.constant 128 : i32
      %mul3A_688 = arith.muli %select_n3A_686, %mul3A_687 : i32
      %multiple_of3A_689 = tpu.assume_multiple %mul3A_688, 128 : i32
      %dma_start3A_690 = arith.constant 14 : i32
      %dma_start3A_691 = arith.constant 0 : i32
      %dma_start3A_692 = arith.constant 0 : i32
      %dma_start3A_693 = tpu.memref_slice %arg9[%dma_start3A_690, %dma_start3A_691, %dma_start3A_692] : memref<16x16x128xf32, #tpu.memory_space<vmem>> -> memref<1x16x128xf32, #tpu.memory_space<vmem>>
      %dma_start3A_694 = tpu.memref_squeeze %dma_start3A_693 : memref<1x16x128xf32, #tpu.memory_space<vmem>> -> memref<16x128xf32, #tpu.memory_space<vmem>>
      %dma_start3A_695 = arith.constant 0 : i32
      %dma_start3A_696 = tpu.memref_slice %arg3[%dma_start3A_695, %multiple_of3A_689] : memref<16x1000000xf32, #tpu.memory_space<hbm>> -> memref<16x128xf32, #tpu.memory_space<hbm>>
      %dma_start3A_697 = arith.constant 0 : i32
      %dma_start3A_698 = arith.constant 0 : i32
      %dma_start3A_699 = tpu.memref_slice %arg9[%dma_start3A_690, %dma_start3A_697, %dma_start3A_698] : memref<16x16x128xf32, #tpu.memory_space<vmem>> -> memref<1x16x128xf32, #tpu.memory_space<vmem>>
      %dma_start3A_700 = tpu.memref_squeeze %dma_start3A_699 : memref<1x16x128xf32, #tpu.memory_space<vmem>> -> memref<16x128xf32, #tpu.memory_space<vmem>>
      %dma_start3A_701 = arith.constant 0 : i32
      %dma_start3A_702 = tpu.memref_slice %arg3[%dma_start3A_701, %multiple_of3A_689] : memref<16x1000000xf32, #tpu.memory_space<hbm>> -> memref<16x128xf32, #tpu.memory_space<hbm>>
      tpu.enqueue_dma source(%dma_start3A_702 : memref<16x128xf32, #tpu.memory_space<hbm>>) target(%dma_start3A_700 : memref<16x128xf32, #tpu.memory_space<vmem>>) target_semaphore(%arg16 : memref<!tpu.dma_semaphore, #tpu.memory_space<semaphore_mem>>)
      %slice3A_703 = vector.extract_strided_slice %get3A_76 {offsets = [15], sizes = [1], strides = [1]} : vector<16xi32> to vector<1xi32>
      %squeeze3A_704 = vector.extract %slice3A_703[0] : i32 from vector<1xi32>
      %jit3A_705 = arith.constant 128 : i32
      %div3A_706 = arith.divsi %squeeze3A_704, %jit3A_705 : i32
      %sign3A_707 = arith.constant 0 : i32
      %sign3A_708 = arith.cmpi sgt, %squeeze3A_704, %sign3A_707 : i32
      %sign3A_709 = arith.extui %sign3A_708 : i1 to i32
      %sign3A_710 = arith.constant 0 : i32
      %sign3A_711 = arith.cmpi slt, %squeeze3A_704, %sign3A_710 : i32
      %sign3A_712 = arith.extui %sign3A_711 : i1 to i32
      %sign3A_713 = arith.subi %sign3A_709, %sign3A_712 : i32
      %sign3A_714 = arith.constant 0 : i32
      %sign3A_715 = arith.cmpi sgt, %jit3A_705, %sign3A_714 : i32
      %sign3A_716 = arith.extui %sign3A_715 : i1 to i32
      %sign3A_717 = arith.constant 0 : i32
      %sign3A_718 = arith.cmpi slt, %jit3A_705, %sign3A_717 : i32
      %sign3A_719 = arith.extui %sign3A_718 : i1 to i32
      %sign3A_720 = arith.subi %sign3A_716, %sign3A_719 : i32
      %ne3A_721 = arith.cmpi ne, %sign3A_713, %sign3A_720 : i32
      %rem3A_722 = arith.remsi %squeeze3A_704, %jit3A_705 : i32
      %ne3A_723 = arith.constant 0 : i32
      %ne3A_724 = arith.cmpi ne, %rem3A_722, %ne3A_723 : i32
      %and3A_725 = arith.andi %ne3A_721, %ne3A_724 : i1
      %sub3A_726 = arith.constant 1 : i32
      %sub3A_727 = arith.subi %div3A_706, %sub3A_726 : i32
      %select_n3A_728 = arith.select %and3A_725, %sub3A_727, %div3A_706 : i32
      %mul3A_729 = arith.constant 128 : i32
      %mul3A_730 = arith.muli %select_n3A_728, %mul3A_729 : i32
      %multiple_of3A_731 = tpu.assume_multiple %mul3A_730, 128 : i32
      %dma_start3A_732 = arith.constant 15 : i32
      %dma_start3A_733 = arith.constant 0 : i32
      %dma_start3A_734 = arith.constant 0 : i32
      %dma_start3A_735 = tpu.memref_slice %arg9[%dma_start3A_732, %dma_start3A_733, %dma_start3A_734] : memref<16x16x128xf32, #tpu.memory_space<vmem>> -> memref<1x16x128xf32, #tpu.memory_space<vmem>>
      %dma_start3A_736 = tpu.memref_squeeze %dma_start3A_735 : memref<1x16x128xf32, #tpu.memory_space<vmem>> -> memref<16x128xf32, #tpu.memory_space<vmem>>
      %dma_start3A_737 = arith.constant 0 : i32
      %dma_start3A_738 = tpu.memref_slice %arg3[%dma_start3A_737, %multiple_of3A_731] : memref<16x1000000xf32, #tpu.memory_space<hbm>> -> memref<16x128xf32, #tpu.memory_space<hbm>>
      %dma_start3A_739 = arith.constant 0 : i32
      %dma_start3A_740 = arith.constant 0 : i32
      %dma_start3A_741 = tpu.memref_slice %arg9[%dma_start3A_732, %dma_start3A_739, %dma_start3A_740] : memref<16x16x128xf32, #tpu.memory_space<vmem>> -> memref<1x16x128xf32, #tpu.memory_space<vmem>>
      %dma_start3A_742 = tpu.memref_squeeze %dma_start3A_741 : memref<1x16x128xf32, #tpu.memory_space<vmem>> -> memref<16x128xf32, #tpu.memory_space<vmem>>
      %dma_start3A_743 = arith.constant 0 : i32
      %dma_start3A_744 = tpu.memref_slice %arg3[%dma_start3A_743, %multiple_of3A_731] : memref<16x1000000xf32, #tpu.memory_space<hbm>> -> memref<16x128xf32, #tpu.memory_space<hbm>>
      tpu.enqueue_dma source(%dma_start3A_744 : memref<16x128xf32, #tpu.memory_space<hbm>>) target(%dma_start3A_742 : memref<16x128xf32, #tpu.memory_space<vmem>>) target_semaphore(%arg16 : memref<!tpu.dma_semaphore, #tpu.memory_space<semaphore_mem>>)
      %dma_wait3A = arith.constant 0 : i32
      %dma_wait3A_745 = arith.constant 0 : i32
      %dma_wait3A_746 = arith.constant 0 : i32
      %dma_wait3A_747 = tpu.memref_slice %arg9[%dma_wait3A, %dma_wait3A_745, %dma_wait3A_746] : memref<16x16x128xf32, #tpu.memory_space<vmem>> -> memref<1x16x128xf32, #tpu.memory_space<vmem>>
      %dma_wait3A_748 = tpu.memref_squeeze %dma_wait3A_747 : memref<1x16x128xf32, #tpu.memory_space<vmem>> -> memref<16x128xf32, #tpu.memory_space<vmem>>
      %dma_wait3A_749 = arith.constant 0 : i32
      %dma_wait3A_750 = tpu.memref_slice %arg3[%dma_wait3A_749, %multiple_of3A] : memref<16x1000000xf32, #tpu.memory_space<hbm>> -> memref<16x128xf32, #tpu.memory_space<hbm>>
      %dma_wait3A_751 = arith.constant 0 : i32
      %dma_wait3A_752 = arith.constant 0 : i32
      %dma_wait3A_753 = tpu.memref_slice %arg9[%dma_wait3A, %dma_wait3A_751, %dma_wait3A_752] : memref<16x16x128xf32, #tpu.memory_space<vmem>> -> memref<1x16x128xf32, #tpu.memory_space<vmem>>
      %dma_wait3A_754 = tpu.memref_squeeze %dma_wait3A_753 : memref<1x16x128xf32, #tpu.memory_space<vmem>> -> memref<16x128xf32, #tpu.memory_space<vmem>>
      %dma_wait3A_755 = arith.constant 0 : i32
      %dma_wait3A_756 = tpu.memref_slice %arg3[%dma_wait3A_755, %multiple_of3A] : memref<16x1000000xf32, #tpu.memory_space<hbm>> -> memref<16x128xf32, #tpu.memory_space<hbm>>
      tpu.wait_dma2 semaphore(%arg16 : memref<!tpu.dma_semaphore, #tpu.memory_space<semaphore_mem>>) src(%dma_wait3A_756 : memref<16x128xf32, #tpu.memory_space<hbm>>) dst(%dma_wait3A_754 : memref<16x128xf32, #tpu.memory_space<vmem>>)
      %dma_wait3A_757 = arith.constant 1 : i32
      %dma_wait3A_758 = arith.constant 0 : i32
      %dma_wait3A_759 = arith.constant 0 : i32
      %dma_wait3A_760 = tpu.memref_slice %arg9[%dma_wait3A_757, %dma_wait3A_758, %dma_wait3A_759] : memref<16x16x128xf32, #tpu.memory_space<vmem>> -> memref<1x16x128xf32, #tpu.memory_space<vmem>>
      %dma_wait3A_761 = tpu.memref_squeeze %dma_wait3A_760 : memref<1x16x128xf32, #tpu.memory_space<vmem>> -> memref<16x128xf32, #tpu.memory_space<vmem>>
      %dma_wait3A_762 = arith.constant 0 : i32
      %dma_wait3A_763 = tpu.memref_slice %arg3[%dma_wait3A_762, %multiple_of3A_143] : memref<16x1000000xf32, #tpu.memory_space<hbm>> -> memref<16x128xf32, #tpu.memory_space<hbm>>
      %dma_wait3A_764 = arith.constant 0 : i32
      %dma_wait3A_765 = arith.constant 0 : i32
      %dma_wait3A_766 = tpu.memref_slice %arg9[%dma_wait3A_757, %dma_wait3A_764, %dma_wait3A_765] : memref<16x16x128xf32, #tpu.memory_space<vmem>> -> memref<1x16x128xf32, #tpu.memory_space<vmem>>
      %dma_wait3A_767 = tpu.memref_squeeze %dma_wait3A_766 : memref<1x16x128xf32, #tpu.memory_space<vmem>> -> memref<16x128xf32, #tpu.memory_space<vmem>>
      %dma_wait3A_768 = arith.constant 0 : i32
      %dma_wait3A_769 = tpu.memref_slice %arg3[%dma_wait3A_768, %multiple_of3A_143] : memref<16x1000000xf32, #tpu.memory_space<hbm>> -> memref<16x128xf32, #tpu.memory_space<hbm>>
      tpu.wait_dma2 semaphore(%arg16 : memref<!tpu.dma_semaphore, #tpu.memory_space<semaphore_mem>>) src(%dma_wait3A_769 : memref<16x128xf32, #tpu.memory_space<hbm>>) dst(%dma_wait3A_767 : memref<16x128xf32, #tpu.memory_space<vmem>>)
      %dma_wait3A_770 = arith.constant 2 : i32
      %dma_wait3A_771 = arith.constant 0 : i32
      %dma_wait3A_772 = arith.constant 0 : i32
      %dma_wait3A_773 = tpu.memref_slice %arg9[%dma_wait3A_770, %dma_wait3A_771, %dma_wait3A_772] : memref<16x16x128xf32, #tpu.memory_space<vmem>> -> memref<1x16x128xf32, #tpu.memory_space<vmem>>
      %dma_wait3A_774 = tpu.memref_squeeze %dma_wait3A_773 : memref<1x16x128xf32, #tpu.memory_space<vmem>> -> memref<16x128xf32, #tpu.memory_space<vmem>>
      %dma_wait3A_775 = arith.constant 0 : i32
      %dma_wait3A_776 = tpu.memref_slice %arg3[%dma_wait3A_775, %multiple_of3A_185] : memref<16x1000000xf32, #tpu.memory_space<hbm>> -> memref<16x128xf32, #tpu.memory_space<hbm>>
      %dma_wait3A_777 = arith.constant 0 : i32
      %dma_wait3A_778 = arith.constant 0 : i32
      %dma_wait3A_779 = tpu.memref_slice %arg9[%dma_wait3A_770, %dma_wait3A_777, %dma_wait3A_778] : memref<16x16x128xf32, #tpu.memory_space<vmem>> -> memref<1x16x128xf32, #tpu.memory_space<vmem>>
      %dma_wait3A_780 = tpu.memref_squeeze %dma_wait3A_779 : memref<1x16x128xf32, #tpu.memory_space<vmem>> -> memref<16x128xf32, #tpu.memory_space<vmem>>
      %dma_wait3A_781 = arith.constant 0 : i32
      %dma_wait3A_782 = tpu.memref_slice %arg3[%dma_wait3A_781, %multiple_of3A_185] : memref<16x1000000xf32, #tpu.memory_space<hbm>> -> memref<16x128xf32, #tpu.memory_space<hbm>>
      tpu.wait_dma2 semaphore(%arg16 : memref<!tpu.dma_semaphore, #tpu.memory_space<semaphore_mem>>) src(%dma_wait3A_782 : memref<16x128xf32, #tpu.memory_space<hbm>>) dst(%dma_wait3A_780 : memref<16x128xf32, #tpu.memory_space<vmem>>)
      %dma_wait3A_783 = arith.constant 3 : i32
      %dma_wait3A_784 = arith.constant 0 : i32
      %dma_wait3A_785 = arith.constant 0 : i32
      %dma_wait3A_786 = tpu.memref_slice %arg9[%dma_wait3A_783, %dma_wait3A_784, %dma_wait3A_785] : memref<16x16x128xf32, #tpu.memory_space<vmem>> -> memref<1x16x128xf32, #tpu.memory_space<vmem>>
      %dma_wait3A_787 = tpu.memref_squeeze %dma_wait3A_786 : memref<1x16x128xf32, #tpu.memory_space<vmem>> -> memref<16x128xf32, #tpu.memory_space<vmem>>
      %dma_wait3A_788 = arith.constant 0 : i32
      %dma_wait3A_789 = tpu.memref_slice %arg3[%dma_wait3A_788, %multiple_of3A_227] : memref<16x1000000xf32, #tpu.memory_space<hbm>> -> memref<16x128xf32, #tpu.memory_space<hbm>>
      %dma_wait3A_790 = arith.constant 0 : i32
      %dma_wait3A_791 = arith.constant 0 : i32
      %dma_wait3A_792 = tpu.memref_slice %arg9[%dma_wait3A_783, %dma_wait3A_790, %dma_wait3A_791] : memref<16x16x128xf32, #tpu.memory_space<vmem>> -> memref<1x16x128xf32, #tpu.memory_space<vmem>>
      %dma_wait3A_793 = tpu.memref_squeeze %dma_wait3A_792 : memref<1x16x128xf32, #tpu.memory_space<vmem>> -> memref<16x128xf32, #tpu.memory_space<vmem>>
      %dma_wait3A_794 = arith.constant 0 : i32
      %dma_wait3A_795 = tpu.memref_slice %arg3[%dma_wait3A_794, %multiple_of3A_227] : memref<16x1000000xf32, #tpu.memory_space<hbm>> -> memref<16x128xf32, #tpu.memory_space<hbm>>
      tpu.wait_dma2 semaphore(%arg16 : memref<!tpu.dma_semaphore, #tpu.memory_space<semaphore_mem>>) src(%dma_wait3A_795 : memref<16x128xf32, #tpu.memory_space<hbm>>) dst(%dma_wait3A_793 : memref<16x128xf32, #tpu.memory_space<vmem>>)
      %dma_wait3A_796 = arith.constant 4 : i32
      %dma_wait3A_797 = arith.constant 0 : i32
      %dma_wait3A_798 = arith.constant 0 : i32
      %dma_wait3A_799 = tpu.memref_slice %arg9[%dma_wait3A_796, %dma_wait3A_797, %dma_wait3A_798] : memref<16x16x128xf32, #tpu.memory_space<vmem>> -> memref<1x16x128xf32, #tpu.memory_space<vmem>>
      %dma_wait3A_800 = tpu.memref_squeeze %dma_wait3A_799 : memref<1x16x128xf32, #tpu.memory_space<vmem>> -> memref<16x128xf32, #tpu.memory_space<vmem>>
      %dma_wait3A_801 = arith.constant 0 : i32
      %dma_wait3A_802 = tpu.memref_slice %arg3[%dma_wait3A_801, %multiple_of3A_269] : memref<16x1000000xf32, #tpu.memory_space<hbm>> -> memref<16x128xf32, #tpu.memory_space<hbm>>
      %dma_wait3A_803 = arith.constant 0 : i32
      %dma_wait3A_804 = arith.constant 0 : i32
      %dma_wait3A_805 = tpu.memref_slice %arg9[%dma_wait3A_796, %dma_wait3A_803, %dma_wait3A_804] : memref<16x16x128xf32, #tpu.memory_space<vmem>> -> memref<1x16x128xf32, #tpu.memory_space<vmem>>
      %dma_wait3A_806 = tpu.memref_squeeze %dma_wait3A_805 : memref<1x16x128xf32, #tpu.memory_space<vmem>> -> memref<16x128xf32, #tpu.memory_space<vmem>>
      %dma_wait3A_807 = arith.constant 0 : i32
      %dma_wait3A_808 = tpu.memref_slice %arg3[%dma_wait3A_807, %multiple_of3A_269] : memref<16x1000000xf32, #tpu.memory_space<hbm>> -> memref<16x128xf32, #tpu.memory_space<hbm>>
      tpu.wait_dma2 semaphore(%arg16 : memref<!tpu.dma_semaphore, #tpu.memory_space<semaphore_mem>>) src(%dma_wait3A_808 : memref<16x128xf32, #tpu.memory_space<hbm>>) dst(%dma_wait3A_806 : memref<16x128xf32, #tpu.memory_space<vmem>>)
      %dma_wait3A_809 = arith.constant 5 : i32
      %dma_wait3A_810 = arith.constant 0 : i32
      %dma_wait3A_811 = arith.constant 0 : i32
      %dma_wait3A_812 = tpu.memref_slice %arg9[%dma_wait3A_809, %dma_wait3A_810, %dma_wait3A_811] : memref<16x16x128xf32, #tpu.memory_space<vmem>> -> memref<1x16x128xf32, #tpu.memory_space<vmem>>
      %dma_wait3A_813 = tpu.memref_squeeze %dma_wait3A_812 : memref<1x16x128xf32, #tpu.memory_space<vmem>> -> memref<16x128xf32, #tpu.memory_space<vmem>>
      %dma_wait3A_814 = arith.constant 0 : i32
      %dma_wait3A_815 = tpu.memref_slice %arg3[%dma_wait3A_814, %multiple_of3A_311] : memref<16x1000000xf32, #tpu.memory_space<hbm>> -> memref<16x128xf32, #tpu.memory_space<hbm>>
      %dma_wait3A_816 = arith.constant 0 : i32
      %dma_wait3A_817 = arith.constant 0 : i32
      %dma_wait3A_818 = tpu.memref_slice %arg9[%dma_wait3A_809, %dma_wait3A_816, %dma_wait3A_817] : memref<16x16x128xf32, #tpu.memory_space<vmem>> -> memref<1x16x128xf32, #tpu.memory_space<vmem>>
      %dma_wait3A_819 = tpu.memref_squeeze %dma_wait3A_818 : memref<1x16x128xf32, #tpu.memory_space<vmem>> -> memref<16x128xf32, #tpu.memory_space<vmem>>
      %dma_wait3A_820 = arith.constant 0 : i32
      %dma_wait3A_821 = tpu.memref_slice %arg3[%dma_wait3A_820, %multiple_of3A_311] : memref<16x1000000xf32, #tpu.memory_space<hbm>> -> memref<16x128xf32, #tpu.memory_space<hbm>>
      tpu.wait_dma2 semaphore(%arg16 : memref<!tpu.dma_semaphore, #tpu.memory_space<semaphore_mem>>) src(%dma_wait3A_821 : memref<16x128xf32, #tpu.memory_space<hbm>>) dst(%dma_wait3A_819 : memref<16x128xf32, #tpu.memory_space<vmem>>)
      %dma_wait3A_822 = arith.constant 6 : i32
      %dma_wait3A_823 = arith.constant 0 : i32
      %dma_wait3A_824 = arith.constant 0 : i32
      %dma_wait3A_825 = tpu.memref_slice %arg9[%dma_wait3A_822, %dma_wait3A_823, %dma_wait3A_824] : memref<16x16x128xf32, #tpu.memory_space<vmem>> -> memref<1x16x128xf32, #tpu.memory_space<vmem>>
      %dma_wait3A_826 = tpu.memref_squeeze %dma_wait3A_825 : memref<1x16x128xf32, #tpu.memory_space<vmem>> -> memref<16x128xf32, #tpu.memory_space<vmem>>
      %dma_wait3A_827 = arith.constant 0 : i32
      %dma_wait3A_828 = tpu.memref_slice %arg3[%dma_wait3A_827, %multiple_of3A_353] : memref<16x1000000xf32, #tpu.memory_space<hbm>> -> memref<16x128xf32, #tpu.memory_space<hbm>>
      %dma_wait3A_829 = arith.constant 0 : i32
      %dma_wait3A_830 = arith.constant 0 : i32
      %dma_wait3A_831 = tpu.memref_slice %arg9[%dma_wait3A_822, %dma_wait3A_829, %dma_wait3A_830] : memref<16x16x128xf32, #tpu.memory_space<vmem>> -> memref<1x16x128xf32, #tpu.memory_space<vmem>>
      %dma_wait3A_832 = tpu.memref_squeeze %dma_wait3A_831 : memref<1x16x128xf32, #tpu.memory_space<vmem>> -> memref<16x128xf32, #tpu.memory_space<vmem>>
      %dma_wait3A_833 = arith.constant 0 : i32
      %dma_wait3A_834 = tpu.memref_slice %arg3[%dma_wait3A_833, %multiple_of3A_353] : memref<16x1000000xf32, #tpu.memory_space<hbm>> -> memref<16x128xf32, #tpu.memory_space<hbm>>
      tpu.wait_dma2 semaphore(%arg16 : memref<!tpu.dma_semaphore, #tpu.memory_space<semaphore_mem>>) src(%dma_wait3A_834 : memref<16x128xf32, #tpu.memory_space<hbm>>) dst(%dma_wait3A_832 : memref<16x128xf32, #tpu.memory_space<vmem>>)
      %dma_wait3A_835 = arith.constant 7 : i32
      %dma_wait3A_836 = arith.constant 0 : i32
      %dma_wait3A_837 = arith.constant 0 : i32
      %dma_wait3A_838 = tpu.memref_slice %arg9[%dma_wait3A_835, %dma_wait3A_836, %dma_wait3A_837] : memref<16x16x128xf32, #tpu.memory_space<vmem>> -> memref<1x16x128xf32, #tpu.memory_space<vmem>>
      %dma_wait3A_839 = tpu.memref_squeeze %dma_wait3A_838 : memref<1x16x128xf32, #tpu.memory_space<vmem>> -> memref<16x128xf32, #tpu.memory_space<vmem>>
      %dma_wait3A_840 = arith.constant 0 : i32
      %dma_wait3A_841 = tpu.memref_slice %arg3[%dma_wait3A_840, %multiple_of3A_395] : memref<16x1000000xf32, #tpu.memory_space<hbm>> -> memref<16x128xf32, #tpu.memory_space<hbm>>
      %dma_wait3A_842 = arith.constant 0 : i32
      %dma_wait3A_843 = arith.constant 0 : i32
      %dma_wait3A_844 = tpu.memref_slice %arg9[%dma_wait3A_835, %dma_wait3A_842, %dma_wait3A_843] : memref<16x16x128xf32, #tpu.memory_space<vmem>> -> memref<1x16x128xf32, #tpu.memory_space<vmem>>
      %dma_wait3A_845 = tpu.memref_squeeze %dma_wait3A_844 : memref<1x16x128xf32, #tpu.memory_space<vmem>> -> memref<16x128xf32, #tpu.memory_space<vmem>>
      %dma_wait3A_846 = arith.constant 0 : i32
      %dma_wait3A_847 = tpu.memref_slice %arg3[%dma_wait3A_846, %multiple_of3A_395] : memref<16x1000000xf32, #tpu.memory_space<hbm>> -> memref<16x128xf32, #tpu.memory_space<hbm>>
      tpu.wait_dma2 semaphore(%arg16 : memref<!tpu.dma_semaphore, #tpu.memory_space<semaphore_mem>>) src(%dma_wait3A_847 : memref<16x128xf32, #tpu.memory_space<hbm>>) dst(%dma_wait3A_845 : memref<16x128xf32, #tpu.memory_space<vmem>>)
      %dma_wait3A_848 = arith.constant 8 : i32
      %dma_wait3A_849 = arith.constant 0 : i32
      %dma_wait3A_850 = arith.constant 0 : i32
      %dma_wait3A_851 = tpu.memref_slice %arg9[%dma_wait3A_848, %dma_wait3A_849, %dma_wait3A_850] : memref<16x16x128xf32, #tpu.memory_space<vmem>> -> memref<1x16x128xf32, #tpu.memory_space<vmem>>
      %dma_wait3A_852 = tpu.memref_squeeze %dma_wait3A_851 : memref<1x16x128xf32, #tpu.memory_space<vmem>> -> memref<16x128xf32, #tpu.memory_space<vmem>>
      %dma_wait3A_853 = arith.constant 0 : i32
      %dma_wait3A_854 = tpu.memref_slice %arg3[%dma_wait3A_853, %multiple_of3A_437] : memref<16x1000000xf32, #tpu.memory_space<hbm>> -> memref<16x128xf32, #tpu.memory_space<hbm>>
      %dma_wait3A_855 = arith.constant 0 : i32
      %dma_wait3A_856 = arith.constant 0 : i32
      %dma_wait3A_857 = tpu.memref_slice %arg9[%dma_wait3A_848, %dma_wait3A_855, %dma_wait3A_856] : memref<16x16x128xf32, #tpu.memory_space<vmem>> -> memref<1x16x128xf32, #tpu.memory_space<vmem>>
      %dma_wait3A_858 = tpu.memref_squeeze %dma_wait3A_857 : memref<1x16x128xf32, #tpu.memory_space<vmem>> -> memref<16x128xf32, #tpu.memory_space<vmem>>
      %dma_wait3A_859 = arith.constant 0 : i32
      %dma_wait3A_860 = tpu.memref_slice %arg3[%dma_wait3A_859, %multiple_of3A_437] : memref<16x1000000xf32, #tpu.memory_space<hbm>> -> memref<16x128xf32, #tpu.memory_space<hbm>>
      tpu.wait_dma2 semaphore(%arg16 : memref<!tpu.dma_semaphore, #tpu.memory_space<semaphore_mem>>) src(%dma_wait3A_860 : memref<16x128xf32, #tpu.memory_space<hbm>>) dst(%dma_wait3A_858 : memref<16x128xf32, #tpu.memory_space<vmem>>)
      %dma_wait3A_861 = arith.constant 9 : i32
      %dma_wait3A_862 = arith.constant 0 : i32
      %dma_wait3A_863 = arith.constant 0 : i32
      %dma_wait3A_864 = tpu.memref_slice %arg9[%dma_wait3A_861, %dma_wait3A_862, %dma_wait3A_863] : memref<16x16x128xf32, #tpu.memory_space<vmem>> -> memref<1x16x128xf32, #tpu.memory_space<vmem>>
      %dma_wait3A_865 = tpu.memref_squeeze %dma_wait3A_864 : memref<1x16x128xf32, #tpu.memory_space<vmem>> -> memref<16x128xf32, #tpu.memory_space<vmem>>
      %dma_wait3A_866 = arith.constant 0 : i32
      %dma_wait3A_867 = tpu.memref_slice %arg3[%dma_wait3A_866, %multiple_of3A_479] : memref<16x1000000xf32, #tpu.memory_space<hbm>> -> memref<16x128xf32, #tpu.memory_space<hbm>>
      %dma_wait3A_868 = arith.constant 0 : i32
      %dma_wait3A_869 = arith.constant 0 : i32
      %dma_wait3A_870 = tpu.memref_slice %arg9[%dma_wait3A_861, %dma_wait3A_868, %dma_wait3A_869] : memref<16x16x128xf32, #tpu.memory_space<vmem>> -> memref<1x16x128xf32, #tpu.memory_space<vmem>>
      %dma_wait3A_871 = tpu.memref_squeeze %dma_wait3A_870 : memref<1x16x128xf32, #tpu.memory_space<vmem>> -> memref<16x128xf32, #tpu.memory_space<vmem>>
      %dma_wait3A_872 = arith.constant 0 : i32
      %dma_wait3A_873 = tpu.memref_slice %arg3[%dma_wait3A_872, %multiple_of3A_479] : memref<16x1000000xf32, #tpu.memory_space<hbm>> -> memref<16x128xf32, #tpu.memory_space<hbm>>
      tpu.wait_dma2 semaphore(%arg16 : memref<!tpu.dma_semaphore, #tpu.memory_space<semaphore_mem>>) src(%dma_wait3A_873 : memref<16x128xf32, #tpu.memory_space<hbm>>) dst(%dma_wait3A_871 : memref<16x128xf32, #tpu.memory_space<vmem>>)
      %dma_wait3A_874 = arith.constant 10 : i32
      %dma_wait3A_875 = arith.constant 0 : i32
      %dma_wait3A_876 = arith.constant 0 : i32
      %dma_wait3A_877 = tpu.memref_slice %arg9[%dma_wait3A_874, %dma_wait3A_875, %dma_wait3A_876] : memref<16x16x128xf32, #tpu.memory_space<vmem>> -> memref<1x16x128xf32, #tpu.memory_space<vmem>>
      %dma_wait3A_878 = tpu.memref_squeeze %dma_wait3A_877 : memref<1x16x128xf32, #tpu.memory_space<vmem>> -> memref<16x128xf32, #tpu.memory_space<vmem>>
      %dma_wait3A_879 = arith.constant 0 : i32
      %dma_wait3A_880 = tpu.memref_slice %arg3[%dma_wait3A_879, %multiple_of3A_521] : memref<16x1000000xf32, #tpu.memory_space<hbm>> -> memref<16x128xf32, #tpu.memory_space<hbm>>
      %dma_wait3A_881 = arith.constant 0 : i32
      %dma_wait3A_882 = arith.constant 0 : i32
      %dma_wait3A_883 = tpu.memref_slice %arg9[%dma_wait3A_874, %dma_wait3A_881, %dma_wait3A_882] : memref<16x16x128xf32, #tpu.memory_space<vmem>> -> memref<1x16x128xf32, #tpu.memory_space<vmem>>
      %dma_wait3A_884 = tpu.memref_squeeze %dma_wait3A_883 : memref<1x16x128xf32, #tpu.memory_space<vmem>> -> memref<16x128xf32, #tpu.memory_space<vmem>>
      %dma_wait3A_885 = arith.constant 0 : i32
      %dma_wait3A_886 = tpu.memref_slice %arg3[%dma_wait3A_885, %multiple_of3A_521] : memref<16x1000000xf32, #tpu.memory_space<hbm>> -> memref<16x128xf32, #tpu.memory_space<hbm>>
      tpu.wait_dma2 semaphore(%arg16 : memref<!tpu.dma_semaphore, #tpu.memory_space<semaphore_mem>>) src(%dma_wait3A_886 : memref<16x128xf32, #tpu.memory_space<hbm>>) dst(%dma_wait3A_884 : memref<16x128xf32, #tpu.memory_space<vmem>>)
      %dma_wait3A_887 = arith.constant 11 : i32
      %dma_wait3A_888 = arith.constant 0 : i32
      %dma_wait3A_889 = arith.constant 0 : i32
      %dma_wait3A_890 = tpu.memref_slice %arg9[%dma_wait3A_887, %dma_wait3A_888, %dma_wait3A_889] : memref<16x16x128xf32, #tpu.memory_space<vmem>> -> memref<1x16x128xf32, #tpu.memory_space<vmem>>
      %dma_wait3A_891 = tpu.memref_squeeze %dma_wait3A_890 : memref<1x16x128xf32, #tpu.memory_space<vmem>> -> memref<16x128xf32, #tpu.memory_space<vmem>>
      %dma_wait3A_892 = arith.constant 0 : i32
      %dma_wait3A_893 = tpu.memref_slice %arg3[%dma_wait3A_892, %multiple_of3A_563] : memref<16x1000000xf32, #tpu.memory_space<hbm>> -> memref<16x128xf32, #tpu.memory_space<hbm>>
      %dma_wait3A_894 = arith.constant 0 : i32
      %dma_wait3A_895 = arith.constant 0 : i32
      %dma_wait3A_896 = tpu.memref_slice %arg9[%dma_wait3A_887, %dma_wait3A_894, %dma_wait3A_895] : memref<16x16x128xf32, #tpu.memory_space<vmem>> -> memref<1x16x128xf32, #tpu.memory_space<vmem>>
      %dma_wait3A_897 = tpu.memref_squeeze %dma_wait3A_896 : memref<1x16x128xf32, #tpu.memory_space<vmem>> -> memref<16x128xf32, #tpu.memory_space<vmem>>
      %dma_wait3A_898 = arith.constant 0 : i32
      %dma_wait3A_899 = tpu.memref_slice %arg3[%dma_wait3A_898, %multiple_of3A_563] : memref<16x1000000xf32, #tpu.memory_space<hbm>> -> memref<16x128xf32, #tpu.memory_space<hbm>>
      tpu.wait_dma2 semaphore(%arg16 : memref<!tpu.dma_semaphore, #tpu.memory_space<semaphore_mem>>) src(%dma_wait3A_899 : memref<16x128xf32, #tpu.memory_space<hbm>>) dst(%dma_wait3A_897 : memref<16x128xf32, #tpu.memory_space<vmem>>)
      %dma_wait3A_900 = arith.constant 12 : i32
      %dma_wait3A_901 = arith.constant 0 : i32
      %dma_wait3A_902 = arith.constant 0 : i32
      %dma_wait3A_903 = tpu.memref_slice %arg9[%dma_wait3A_900, %dma_wait3A_901, %dma_wait3A_902] : memref<16x16x128xf32, #tpu.memory_space<vmem>> -> memref<1x16x128xf32, #tpu.memory_space<vmem>>
      %dma_wait3A_904 = tpu.memref_squeeze %dma_wait3A_903 : memref<1x16x128xf32, #tpu.memory_space<vmem>> -> memref<16x128xf32, #tpu.memory_space<vmem>>
      %dma_wait3A_905 = arith.constant 0 : i32
      %dma_wait3A_906 = tpu.memref_slice %arg3[%dma_wait3A_905, %multiple_of3A_605] : memref<16x1000000xf32, #tpu.memory_space<hbm>> -> memref<16x128xf32, #tpu.memory_space<hbm>>
      %dma_wait3A_907 = arith.constant 0 : i32
      %dma_wait3A_908 = arith.constant 0 : i32
      %dma_wait3A_909 = tpu.memref_slice %arg9[%dma_wait3A_900, %dma_wait3A_907, %dma_wait3A_908] : memref<16x16x128xf32, #tpu.memory_space<vmem>> -> memref<1x16x128xf32, #tpu.memory_space<vmem>>
      %dma_wait3A_910 = tpu.memref_squeeze %dma_wait3A_909 : memref<1x16x128xf32, #tpu.memory_space<vmem>> -> memref<16x128xf32, #tpu.memory_space<vmem>>
      %dma_wait3A_911 = arith.constant 0 : i32
      %dma_wait3A_912 = tpu.memref_slice %arg3[%dma_wait3A_911, %multiple_of3A_605] : memref<16x1000000xf32, #tpu.memory_space<hbm>> -> memref<16x128xf32, #tpu.memory_space<hbm>>
      tpu.wait_dma2 semaphore(%arg16 : memref<!tpu.dma_semaphore, #tpu.memory_space<semaphore_mem>>) src(%dma_wait3A_912 : memref<16x128xf32, #tpu.memory_space<hbm>>) dst(%dma_wait3A_910 : memref<16x128xf32, #tpu.memory_space<vmem>>)
      %dma_wait3A_913 = arith.constant 13 : i32
      %dma_wait3A_914 = arith.constant 0 : i32
      %dma_wait3A_915 = arith.constant 0 : i32
      %dma_wait3A_916 = tpu.memref_slice %arg9[%dma_wait3A_913, %dma_wait3A_914, %dma_wait3A_915] : memref<16x16x128xf32, #tpu.memory_space<vmem>> -> memref<1x16x128xf32, #tpu.memory_space<vmem>>
      %dma_wait3A_917 = tpu.memref_squeeze %dma_wait3A_916 : memref<1x16x128xf32, #tpu.memory_space<vmem>> -> memref<16x128xf32, #tpu.memory_space<vmem>>
      %dma_wait3A_918 = arith.constant 0 : i32
      %dma_wait3A_919 = tpu.memref_slice %arg3[%dma_wait3A_918, %multiple_of3A_647] : memref<16x1000000xf32, #tpu.memory_space<hbm>> -> memref<16x128xf32, #tpu.memory_space<hbm>>
      %dma_wait3A_920 = arith.constant 0 : i32
      %dma_wait3A_921 = arith.constant 0 : i32
      %dma_wait3A_922 = tpu.memref_slice %arg9[%dma_wait3A_913, %dma_wait3A_920, %dma_wait3A_921] : memref<16x16x128xf32, #tpu.memory_space<vmem>> -> memref<1x16x128xf32, #tpu.memory_space<vmem>>
      %dma_wait3A_923 = tpu.memref_squeeze %dma_wait3A_922 : memref<1x16x128xf32, #tpu.memory_space<vmem>> -> memref<16x128xf32, #tpu.memory_space<vmem>>
      %dma_wait3A_924 = arith.constant 0 : i32
      %dma_wait3A_925 = tpu.memref_slice %arg3[%dma_wait3A_924, %multiple_of3A_647] : memref<16x1000000xf32, #tpu.memory_space<hbm>> -> memref<16x128xf32, #tpu.memory_space<hbm>>
      tpu.wait_dma2 semaphore(%arg16 : memref<!tpu.dma_semaphore, #tpu.memory_space<semaphore_mem>>) src(%dma_wait3A_925 : memref<16x128xf32, #tpu.memory_space<hbm>>) dst(%dma_wait3A_923 : memref<16x128xf32, #tpu.memory_space<vmem>>)
      %dma_wait3A_926 = arith.constant 14 : i32
      %dma_wait3A_927 = arith.constant 0 : i32
      %dma_wait3A_928 = arith.constant 0 : i32
      %dma_wait3A_929 = tpu.memref_slice %arg9[%dma_wait3A_926, %dma_wait3A_927, %dma_wait3A_928] : memref<16x16x128xf32, #tpu.memory_space<vmem>> -> memref<1x16x128xf32, #tpu.memory_space<vmem>>
      %dma_wait3A_930 = tpu.memref_squeeze %dma_wait3A_929 : memref<1x16x128xf32, #tpu.memory_space<vmem>> -> memref<16x128xf32, #tpu.memory_space<vmem>>
      %dma_wait3A_931 = arith.constant 0 : i32
      %dma_wait3A_932 = tpu.memref_slice %arg3[%dma_wait3A_931, %multiple_of3A_689] : memref<16x1000000xf32, #tpu.memory_space<hbm>> -> memref<16x128xf32, #tpu.memory_space<hbm>>
      %dma_wait3A_933 = arith.constant 0 : i32
      %dma_wait3A_934 = arith.constant 0 : i32
      %dma_wait3A_935 = tpu.memref_slice %arg9[%dma_wait3A_926, %dma_wait3A_933, %dma_wait3A_934] : memref<16x16x128xf32, #tpu.memory_space<vmem>> -> memref<1x16x128xf32, #tpu.memory_space<vmem>>
      %dma_wait3A_936 = tpu.memref_squeeze %dma_wait3A_935 : memref<1x16x128xf32, #tpu.memory_space<vmem>> -> memref<16x128xf32, #tpu.memory_space<vmem>>
      %dma_wait3A_937 = arith.constant 0 : i32
      %dma_wait3A_938 = tpu.memref_slice %arg3[%dma_wait3A_937, %multiple_of3A_689] : memref<16x1000000xf32, #tpu.memory_space<hbm>> -> memref<16x128xf32, #tpu.memory_space<hbm>>
      tpu.wait_dma2 semaphore(%arg16 : memref<!tpu.dma_semaphore, #tpu.memory_space<semaphore_mem>>) src(%dma_wait3A_938 : memref<16x128xf32, #tpu.memory_space<hbm>>) dst(%dma_wait3A_936 : memref<16x128xf32, #tpu.memory_space<vmem>>)
      %dma_wait3A_939 = arith.constant 15 : i32
      %dma_wait3A_940 = arith.constant 0 : i32
      %dma_wait3A_941 = arith.constant 0 : i32
      %dma_wait3A_942 = tpu.memref_slice %arg9[%dma_wait3A_939, %dma_wait3A_940, %dma_wait3A_941] : memref<16x16x128xf32, #tpu.memory_space<vmem>> -> memref<1x16x128xf32, #tpu.memory_space<vmem>>
      %dma_wait3A_943 = tpu.memref_squeeze %dma_wait3A_942 : memref<1x16x128xf32, #tpu.memory_space<vmem>> -> memref<16x128xf32, #tpu.memory_space<vmem>>
      %dma_wait3A_944 = arith.constant 0 : i32
      %dma_wait3A_945 = tpu.memref_slice %arg3[%dma_wait3A_944, %multiple_of3A_731] : memref<16x1000000xf32, #tpu.memory_space<hbm>> -> memref<16x128xf32, #tpu.memory_space<hbm>>
      %dma_wait3A_946 = arith.constant 0 : i32
      %dma_wait3A_947 = arith.constant 0 : i32
      %dma_wait3A_948 = tpu.memref_slice %arg9[%dma_wait3A_939, %dma_wait3A_946, %dma_wait3A_947] : memref<16x16x128xf32, #tpu.memory_space<vmem>> -> memref<1x16x128xf32, #tpu.memory_space<vmem>>
      %dma_wait3A_949 = tpu.memref_squeeze %dma_wait3A_948 : memref<1x16x128xf32, #tpu.memory_space<vmem>> -> memref<16x128xf32, #tpu.memory_space<vmem>>
      %dma_wait3A_950 = arith.constant 0 : i32
      %dma_wait3A_951 = tpu.memref_slice %arg3[%dma_wait3A_950, %multiple_of3A_731] : memref<16x1000000xf32, #tpu.memory_space<hbm>> -> memref<16x128xf32, #tpu.memory_space<hbm>>
      tpu.wait_dma2 semaphore(%arg16 : memref<!tpu.dma_semaphore, #tpu.memory_space<semaphore_mem>>) src(%dma_wait3A_951 : memref<16x128xf32, #tpu.memory_space<hbm>>) dst(%dma_wait3A_949 : memref<16x128xf32, #tpu.memory_space<vmem>>)
      %slice3A_952 = vector.extract_strided_slice %get3A_76 {offsets = [0], sizes = [1], strides = [1]} : vector<16xi32> to vector<1xi32>
      %squeeze3A_953 = vector.extract %slice3A_952[0] : i32 from vector<1xi32>
      %rem3A_954 = arith.constant 128 : i32
      %rem3A_955 = arith.remsi %squeeze3A_953, %rem3A_954 : i32
      %broadcast_in_dim3A_956 = vector.broadcast %rem3A_955 : i32 to vector<16xi32>
      %gather3A = arith.constant 0 : i32
      %gather3A_957 = arith.constant 0 : i32
      %gather3A_958 = arith.constant 0 : i32
      %gather3A_959 = tpu.memref_slice %arg9[%gather3A, %gather3A_957, %gather3A_958] : memref<16x16x128xf32, #tpu.memory_space<vmem>> -> memref<1x16x128xf32, #tpu.memory_space<vmem>>
      %gather3A_960 = tpu.memref_squeeze %gather3A_959 : memref<1x16x128xf32, #tpu.memory_space<vmem>> -> memref<16x128xf32, #tpu.memory_space<vmem>>
      %gather3A_961 = tpu.vector_load_idx %gather3A_960[%iota3A, %broadcast_in_dim3A_956] : memref<16x128xf32, #tpu.memory_space<vmem>>[vector<16xi32>, vector<16xi32>], vector<16xf32>,
      %not3A = arith.constant true
      %not3A_962 = arith.xori %eq3A_85, %not3A : i1
      %or3A = arith.constant false
      %or3A_963 = arith.ori %not3A_962, %or3A : i1
      %convert_element_type3A_964 = arith.extui %or3A_963 : i1 to i32
      %convert_element_type3A_965 = arith.sitofp %convert_element_type3A_964 : i32 to f32
      %mul3A_966 = vector.broadcast %convert_element_type3A_965 : f32 to vector<16xf32>
      %mul3A_967 = arith.mulf %gather3A_961, %mul3A_966 : vector<16xf32>
      %add3A = arith.addf %broadcast_in_dim3A_77, %mul3A_967 : vector<16xf32>
      %slice3A_968 = vector.extract_strided_slice %get3A_76 {offsets = [1], sizes = [1], strides = [1]} : vector<16xi32> to vector<1xi32>
      %squeeze3A_969 = vector.extract %slice3A_968[0] : i32 from vector<1xi32>
      %rem3A_970 = arith.constant 128 : i32
      %rem3A_971 = arith.remsi %squeeze3A_969, %rem3A_970 : i32
      %broadcast_in_dim3A_972 = vector.broadcast %rem3A_971 : i32 to vector<16xi32>
      %gather3A_973 = arith.constant 1 : i32
      %gather3A_974 = arith.constant 0 : i32
      %gather3A_975 = arith.constant 0 : i32
      %gather3A_976 = tpu.memref_slice %arg9[%gather3A_973, %gather3A_974, %gather3A_975] : memref<16x16x128xf32, #tpu.memory_space<vmem>> -> memref<1x16x128xf32, #tpu.memory_space<vmem>>
      %gather3A_977 = tpu.memref_squeeze %gather3A_976 : memref<1x16x128xf32, #tpu.memory_space<vmem>> -> memref<16x128xf32, #tpu.memory_space<vmem>>
      %gather3A_978 = tpu.vector_load_idx %gather3A_977[%iota3A, %broadcast_in_dim3A_972] : memref<16x128xf32, #tpu.memory_space<vmem>>[vector<16xi32>, vector<16xi32>], vector<16xf32>,
      %not3A_979 = arith.constant true
      %not3A_980 = arith.xori %eq3A_85, %not3A_979 : i1
      %or3A_981 = arith.constant false
      %or3A_982 = arith.ori %not3A_980, %or3A_981 : i1
      %convert_element_type3A_983 = arith.extui %or3A_982 : i1 to i32
      %convert_element_type3A_984 = arith.sitofp %convert_element_type3A_983 : i32 to f32
      %mul3A_985 = vector.broadcast %convert_element_type3A_984 : f32 to vector<16xf32>
      %mul3A_986 = arith.mulf %gather3A_978, %mul3A_985 : vector<16xf32>
      %add3A_987 = arith.addf %broadcast_in_dim3A_79, %mul3A_986 : vector<16xf32>
      %slice3A_988 = vector.extract_strided_slice %get3A_76 {offsets = [2], sizes = [1], strides = [1]} : vector<16xi32> to vector<1xi32>
      %squeeze3A_989 = vector.extract %slice3A_988[0] : i32 from vector<1xi32>
      %rem3A_990 = arith.constant 128 : i32
      %rem3A_991 = arith.remsi %squeeze3A_989, %rem3A_990 : i32
      %broadcast_in_dim3A_992 = vector.broadcast %rem3A_991 : i32 to vector<16xi32>
      %gather3A_993 = arith.constant 2 : i32
      %gather3A_994 = arith.constant 0 : i32
      %gather3A_995 = arith.constant 0 : i32
      %gather3A_996 = tpu.memref_slice %arg9[%gather3A_993, %gather3A_994, %gather3A_995] : memref<16x16x128xf32, #tpu.memory_space<vmem>> -> memref<1x16x128xf32, #tpu.memory_space<vmem>>
      %gather3A_997 = tpu.memref_squeeze %gather3A_996 : memref<1x16x128xf32, #tpu.memory_space<vmem>> -> memref<16x128xf32, #tpu.memory_space<vmem>>
      %gather3A_998 = tpu.vector_load_idx %gather3A_997[%iota3A, %broadcast_in_dim3A_992] : memref<16x128xf32, #tpu.memory_space<vmem>>[vector<16xi32>, vector<16xi32>], vector<16xf32>,
      %not3A_999 = arith.constant true
      %not3A_1000 = arith.xori %eq3A_85, %not3A_999 : i1
      %or3A_1001 = arith.constant false
      %or3A_1002 = arith.ori %not3A_1000, %or3A_1001 : i1
      %convert_element_type3A_1003 = arith.extui %or3A_1002 : i1 to i32
      %convert_element_type3A_1004 = arith.sitofp %convert_element_type3A_1003 : i32 to f32
      %mul3A_1005 = vector.broadcast %convert_element_type3A_1004 : f32 to vector<16xf32>
      %mul3A_1006 = arith.mulf %gather3A_998, %mul3A_1005 : vector<16xf32>
      %add3A_1007 = arith.addf %broadcast_in_dim3A_81, %mul3A_1006 : vector<16xf32>
      %slice3A_1008 = vector.extract_strided_slice %get3A_76 {offsets = [3], sizes = [1], strides = [1]} : vector<16xi32> to vector<1xi32>
      %squeeze3A_1009 = vector.extract %slice3A_1008[0] : i32 from vector<1xi32>
      %rem3A_1010 = arith.constant 128 : i32
      %rem3A_1011 = arith.remsi %squeeze3A_1009, %rem3A_1010 : i32
      %broadcast_in_dim3A_1012 = vector.broadcast %rem3A_1011 : i32 to vector<16xi32>
      %gather3A_1013 = arith.constant 3 : i32
      %gather3A_1014 = arith.constant 0 : i32
      %gather3A_1015 = arith.constant 0 : i32
      %gather3A_1016 = tpu.memref_slice %arg9[%gather3A_1013, %gather3A_1014, %gather3A_1015] : memref<16x16x128xf32, #tpu.memory_space<vmem>> -> memref<1x16x128xf32, #tpu.memory_space<vmem>>
      %gather3A_1017 = tpu.memref_squeeze %gather3A_1016 : memref<1x16x128xf32, #tpu.memory_space<vmem>> -> memref<16x128xf32, #tpu.memory_space<vmem>>
      %gather3A_1018 = tpu.vector_load_idx %gather3A_1017[%iota3A, %broadcast_in_dim3A_1012] : memref<16x128xf32, #tpu.memory_space<vmem>>[vector<16xi32>, vector<16xi32>], vector<16xf32>,
      %not3A_1019 = arith.constant true
      %not3A_1020 = arith.xori %eq3A_85, %not3A_1019 : i1
      %or3A_1021 = arith.constant false
      %or3A_1022 = arith.ori %not3A_1020, %or3A_1021 : i1
      %convert_element_type3A_1023 = arith.extui %or3A_1022 : i1 to i32
      %convert_element_type3A_1024 = arith.sitofp %convert_element_type3A_1023 : i32 to f32
      %mul3A_1025 = vector.broadcast %convert_element_type3A_1024 : f32 to vector<16xf32>
      %mul3A_1026 = arith.mulf %gather3A_1018, %mul3A_1025 : vector<16xf32>
      %add3A_1027 = arith.addf %broadcast_in_dim3A_83, %mul3A_1026 : vector<16xf32>
      %slice3A_1028 = vector.extract_strided_slice %get3A_76 {offsets = [4], sizes = [1], strides = [1]} : vector<16xi32> to vector<1xi32>
      %squeeze3A_1029 = vector.extract %slice3A_1028[0] : i32 from vector<1xi32>
      %rem3A_1030 = arith.constant 128 : i32
      %rem3A_1031 = arith.remsi %squeeze3A_1029, %rem3A_1030 : i32
      %broadcast_in_dim3A_1032 = vector.broadcast %rem3A_1031 : i32 to vector<16xi32>
      %gather3A_1033 = arith.constant 4 : i32
      %gather3A_1034 = arith.constant 0 : i32
      %gather3A_1035 = arith.constant 0 : i32
      %gather3A_1036 = tpu.memref_slice %arg9[%gather3A_1033, %gather3A_1034, %gather3A_1035] : memref<16x16x128xf32, #tpu.memory_space<vmem>> -> memref<1x16x128xf32, #tpu.memory_space<vmem>>
      %gather3A_1037 = tpu.memref_squeeze %gather3A_1036 : memref<1x16x128xf32, #tpu.memory_space<vmem>> -> memref<16x128xf32, #tpu.memory_space<vmem>>
      %gather3A_1038 = tpu.vector_load_idx %gather3A_1037[%iota3A, %broadcast_in_dim3A_1032] : memref<16x128xf32, #tpu.memory_space<vmem>>[vector<16xi32>, vector<16xi32>], vector<16xf32>,
      %not3A_1039 = arith.constant true
      %not3A_1040 = arith.xori %eq3A_85, %not3A_1039 : i1
      %or3A_1041 = arith.constant false
      %or3A_1042 = arith.ori %not3A_1040, %or3A_1041 : i1
      %convert_element_type3A_1043 = arith.extui %or3A_1042 : i1 to i32
      %convert_element_type3A_1044 = arith.sitofp %convert_element_type3A_1043 : i32 to f32
      %mul3A_1045 = vector.broadcast %convert_element_type3A_1044 : f32 to vector<16xf32>
      %mul3A_1046 = arith.mulf %gather3A_1038, %mul3A_1045 : vector<16xf32>
      %add3A_1047 = arith.addf %add3A, %mul3A_1046 : vector<16xf32>
      %slice3A_1048 = vector.extract_strided_slice %get3A_76 {offsets = [5], sizes = [1], strides = [1]} : vector<16xi32> to vector<1xi32>
      %squeeze3A_1049 = vector.extract %slice3A_1048[0] : i32 from vector<1xi32>
      %rem3A_1050 = arith.constant 128 : i32
      %rem3A_1051 = arith.remsi %squeeze3A_1049, %rem3A_1050 : i32
      %broadcast_in_dim3A_1052 = vector.broadcast %rem3A_1051 : i32 to vector<16xi32>
      %gather3A_1053 = arith.constant 5 : i32
      %gather3A_1054 = arith.constant 0 : i32
      %gather3A_1055 = arith.constant 0 : i32
      %gather3A_1056 = tpu.memref_slice %arg9[%gather3A_1053, %gather3A_1054, %gather3A_1055] : memref<16x16x128xf32, #tpu.memory_space<vmem>> -> memref<1x16x128xf32, #tpu.memory_space<vmem>>
      %gather3A_1057 = tpu.memref_squeeze %gather3A_1056 : memref<1x16x128xf32, #tpu.memory_space<vmem>> -> memref<16x128xf32, #tpu.memory_space<vmem>>
      %gather3A_1058 = tpu.vector_load_idx %gather3A_1057[%iota3A, %broadcast_in_dim3A_1052] : memref<16x128xf32, #tpu.memory_space<vmem>>[vector<16xi32>, vector<16xi32>], vector<16xf32>,
      %not3A_1059 = arith.constant true
      %not3A_1060 = arith.xori %eq3A_85, %not3A_1059 : i1
      %or3A_1061 = arith.constant false
      %or3A_1062 = arith.ori %not3A_1060, %or3A_1061 : i1
      %convert_element_type3A_1063 = arith.extui %or3A_1062 : i1 to i32
      %convert_element_type3A_1064 = arith.sitofp %convert_element_type3A_1063 : i32 to f32
      %mul3A_1065 = vector.broadcast %convert_element_type3A_1064 : f32 to vector<16xf32>
      %mul3A_1066 = arith.mulf %gather3A_1058, %mul3A_1065 : vector<16xf32>
      %add3A_1067 = arith.addf %add3A_987, %mul3A_1066 : vector<16xf32>
      %slice3A_1068 = vector.extract_strided_slice %get3A_76 {offsets = [6], sizes = [1], strides = [1]} : vector<16xi32> to vector<1xi32>
      %squeeze3A_1069 = vector.extract %slice3A_1068[0] : i32 from vector<1xi32>
      %rem3A_1070 = arith.constant 128 : i32
      %rem3A_1071 = arith.remsi %squeeze3A_1069, %rem3A_1070 : i32
      %broadcast_in_dim3A_1072 = vector.broadcast %rem3A_1071 : i32 to vector<16xi32>
      %gather3A_1073 = arith.constant 6 : i32
      %gather3A_1074 = arith.constant 0 : i32
      %gather3A_1075 = arith.constant 0 : i32
      %gather3A_1076 = tpu.memref_slice %arg9[%gather3A_1073, %gather3A_1074, %gather3A_1075] : memref<16x16x128xf32, #tpu.memory_space<vmem>> -> memref<1x16x128xf32, #tpu.memory_space<vmem>>
      %gather3A_1077 = tpu.memref_squeeze %gather3A_1076 : memref<1x16x128xf32, #tpu.memory_space<vmem>> -> memref<16x128xf32, #tpu.memory_space<vmem>>
      %gather3A_1078 = tpu.vector_load_idx %gather3A_1077[%iota3A, %broadcast_in_dim3A_1072] : memref<16x128xf32, #tpu.memory_space<vmem>>[vector<16xi32>, vector<16xi32>], vector<16xf32>,
      %not3A_1079 = arith.constant true
      %not3A_1080 = arith.xori %eq3A_85, %not3A_1079 : i1
      %or3A_1081 = arith.constant false
      %or3A_1082 = arith.ori %not3A_1080, %or3A_1081 : i1
      %convert_element_type3A_1083 = arith.extui %or3A_1082 : i1 to i32
      %convert_element_type3A_1084 = arith.sitofp %convert_element_type3A_1083 : i32 to f32
      %mul3A_1085 = vector.broadcast %convert_element_type3A_1084 : f32 to vector<16xf32>
      %mul3A_1086 = arith.mulf %gather3A_1078, %mul3A_1085 : vector<16xf32>
      %add3A_1087 = arith.addf %add3A_1007, %mul3A_1086 : vector<16xf32>
      %slice3A_1088 = vector.extract_strided_slice %get3A_76 {offsets = [7], sizes = [1], strides = [1]} : vector<16xi32> to vector<1xi32>
      %squeeze3A_1089 = vector.extract %slice3A_1088[0] : i32 from vector<1xi32>
      %rem3A_1090 = arith.constant 128 : i32
      %rem3A_1091 = arith.remsi %squeeze3A_1089, %rem3A_1090 : i32
      %broadcast_in_dim3A_1092 = vector.broadcast %rem3A_1091 : i32 to vector<16xi32>
      %gather3A_1093 = arith.constant 7 : i32
      %gather3A_1094 = arith.constant 0 : i32
      %gather3A_1095 = arith.constant 0 : i32
      %gather3A_1096 = tpu.memref_slice %arg9[%gather3A_1093, %gather3A_1094, %gather3A_1095] : memref<16x16x128xf32, #tpu.memory_space<vmem>> -> memref<1x16x128xf32, #tpu.memory_space<vmem>>
      %gather3A_1097 = tpu.memref_squeeze %gather3A_1096 : memref<1x16x128xf32, #tpu.memory_space<vmem>> -> memref<16x128xf32, #tpu.memory_space<vmem>>
      %gather3A_1098 = tpu.vector_load_idx %gather3A_1097[%iota3A, %broadcast_in_dim3A_1092] : memref<16x128xf32, #tpu.memory_space<vmem>>[vector<16xi32>, vector<16xi32>], vector<16xf32>,
      %not3A_1099 = arith.constant true
      %not3A_1100 = arith.xori %eq3A_85, %not3A_1099 : i1
      %or3A_1101 = arith.constant false
      %or3A_1102 = arith.ori %not3A_1100, %or3A_1101 : i1
      %convert_element_type3A_1103 = arith.extui %or3A_1102 : i1 to i32
      %convert_element_type3A_1104 = arith.sitofp %convert_element_type3A_1103 : i32 to f32
      %mul3A_1105 = vector.broadcast %convert_element_type3A_1104 : f32 to vector<16xf32>
      %mul3A_1106 = arith.mulf %gather3A_1098, %mul3A_1105 : vector<16xf32>
      %add3A_1107 = arith.addf %add3A_1027, %mul3A_1106 : vector<16xf32>
      %slice3A_1108 = vector.extract_strided_slice %get3A_76 {offsets = [8], sizes = [1], strides = [1]} : vector<16xi32> to vector<1xi32>
      %squeeze3A_1109 = vector.extract %slice3A_1108[0] : i32 from vector<1xi32>
      %rem3A_1110 = arith.constant 128 : i32
      %rem3A_1111 = arith.remsi %squeeze3A_1109, %rem3A_1110 : i32
      %broadcast_in_dim3A_1112 = vector.broadcast %rem3A_1111 : i32 to vector<16xi32>
      %gather3A_1113 = arith.constant 8 : i32
      %gather3A_1114 = arith.constant 0 : i32
      %gather3A_1115 = arith.constant 0 : i32
      %gather3A_1116 = tpu.memref_slice %arg9[%gather3A_1113, %gather3A_1114, %gather3A_1115] : memref<16x16x128xf32, #tpu.memory_space<vmem>> -> memref<1x16x128xf32, #tpu.memory_space<vmem>>
      %gather3A_1117 = tpu.memref_squeeze %gather3A_1116 : memref<1x16x128xf32, #tpu.memory_space<vmem>> -> memref<16x128xf32, #tpu.memory_space<vmem>>
      %gather3A_1118 = tpu.vector_load_idx %gather3A_1117[%iota3A, %broadcast_in_dim3A_1112] : memref<16x128xf32, #tpu.memory_space<vmem>>[vector<16xi32>, vector<16xi32>], vector<16xf32>,
      %not3A_1119 = arith.constant true
      %not3A_1120 = arith.xori %eq3A_85, %not3A_1119 : i1
      %or3A_1121 = arith.constant true
      %or3A_1122 = arith.ori %not3A_1120, %or3A_1121 : i1
      %convert_element_type3A_1123 = arith.extui %or3A_1122 : i1 to i32
      %convert_element_type3A_1124 = arith.sitofp %convert_element_type3A_1123 : i32 to f32
      %mul3A_1125 = vector.broadcast %convert_element_type3A_1124 : f32 to vector<16xf32>
      %mul3A_1126 = arith.mulf %gather3A_1118, %mul3A_1125 : vector<16xf32>
      %add3A_1127 = arith.addf %add3A_1047, %mul3A_1126 : vector<16xf32>
      %slice3A_1128 = vector.extract_strided_slice %get3A_76 {offsets = [9], sizes = [1], strides = [1]} : vector<16xi32> to vector<1xi32>
      %squeeze3A_1129 = vector.extract %slice3A_1128[0] : i32 from vector<1xi32>
      %rem3A_1130 = arith.constant 128 : i32
      %rem3A_1131 = arith.remsi %squeeze3A_1129, %rem3A_1130 : i32
      %broadcast_in_dim3A_1132 = vector.broadcast %rem3A_1131 : i32 to vector<16xi32>
      %gather3A_1133 = arith.constant 9 : i32
      %gather3A_1134 = arith.constant 0 : i32
      %gather3A_1135 = arith.constant 0 : i32
      %gather3A_1136 = tpu.memref_slice %arg9[%gather3A_1133, %gather3A_1134, %gather3A_1135] : memref<16x16x128xf32, #tpu.memory_space<vmem>> -> memref<1x16x128xf32, #tpu.memory_space<vmem>>
      %gather3A_1137 = tpu.memref_squeeze %gather3A_1136 : memref<1x16x128xf32, #tpu.memory_space<vmem>> -> memref<16x128xf32, #tpu.memory_space<vmem>>
      %gather3A_1138 = tpu.vector_load_idx %gather3A_1137[%iota3A, %broadcast_in_dim3A_1132] : memref<16x128xf32, #tpu.memory_space<vmem>>[vector<16xi32>, vector<16xi32>], vector<16xf32>,
      %not3A_1139 = arith.constant true
      %not3A_1140 = arith.xori %eq3A_85, %not3A_1139 : i1
      %or3A_1141 = arith.constant true
      %or3A_1142 = arith.ori %not3A_1140, %or3A_1141 : i1
      %convert_element_type3A_1143 = arith.extui %or3A_1142 : i1 to i32
      %convert_element_type3A_1144 = arith.sitofp %convert_element_type3A_1143 : i32 to f32
      %mul3A_1145 = vector.broadcast %convert_element_type3A_1144 : f32 to vector<16xf32>
      %mul3A_1146 = arith.mulf %gather3A_1138, %mul3A_1145 : vector<16xf32>
      %add3A_1147 = arith.addf %add3A_1067, %mul3A_1146 : vector<16xf32>
      %slice3A_1148 = vector.extract_strided_slice %get3A_76 {offsets = [10], sizes = [1], strides = [1]} : vector<16xi32> to vector<1xi32>
      %squeeze3A_1149 = vector.extract %slice3A_1148[0] : i32 from vector<1xi32>
      %rem3A_1150 = arith.constant 128 : i32
      %rem3A_1151 = arith.remsi %squeeze3A_1149, %rem3A_1150 : i32
      %broadcast_in_dim3A_1152 = vector.broadcast %rem3A_1151 : i32 to vector<16xi32>
      %gather3A_1153 = arith.constant 10 : i32
      %gather3A_1154 = arith.constant 0 : i32
      %gather3A_1155 = arith.constant 0 : i32
      %gather3A_1156 = tpu.memref_slice %arg9[%gather3A_1153, %gather3A_1154, %gather3A_1155] : memref<16x16x128xf32, #tpu.memory_space<vmem>> -> memref<1x16x128xf32, #tpu.memory_space<vmem>>
      %gather3A_1157 = tpu.memref_squeeze %gather3A_1156 : memref<1x16x128xf32, #tpu.memory_space<vmem>> -> memref<16x128xf32, #tpu.memory_space<vmem>>
      %gather3A_1158 = tpu.vector_load_idx %gather3A_1157[%iota3A, %broadcast_in_dim3A_1152] : memref<16x128xf32, #tpu.memory_space<vmem>>[vector<16xi32>, vector<16xi32>], vector<16xf32>,
      %not3A_1159 = arith.constant true
      %not3A_1160 = arith.xori %eq3A_85, %not3A_1159 : i1
      %or3A_1161 = arith.constant true
      %or3A_1162 = arith.ori %not3A_1160, %or3A_1161 : i1
      %convert_element_type3A_1163 = arith.extui %or3A_1162 : i1 to i32
      %convert_element_type3A_1164 = arith.sitofp %convert_element_type3A_1163 : i32 to f32
      %mul3A_1165 = vector.broadcast %convert_element_type3A_1164 : f32 to vector<16xf32>
      %mul3A_1166 = arith.mulf %gather3A_1158, %mul3A_1165 : vector<16xf32>
      %add3A_1167 = arith.addf %add3A_1087, %mul3A_1166 : vector<16xf32>
      %slice3A_1168 = vector.extract_strided_slice %get3A_76 {offsets = [11], sizes = [1], strides = [1]} : vector<16xi32> to vector<1xi32>
      %squeeze3A_1169 = vector.extract %slice3A_1168[0] : i32 from vector<1xi32>
      %rem3A_1170 = arith.constant 128 : i32
      %rem3A_1171 = arith.remsi %squeeze3A_1169, %rem3A_1170 : i32
      %broadcast_in_dim3A_1172 = vector.broadcast %rem3A_1171 : i32 to vector<16xi32>
      %gather3A_1173 = arith.constant 11 : i32
      %gather3A_1174 = arith.constant 0 : i32
      %gather3A_1175 = arith.constant 0 : i32
      %gather3A_1176 = tpu.memref_slice %arg9[%gather3A_1173, %gather3A_1174, %gather3A_1175] : memref<16x16x128xf32, #tpu.memory_space<vmem>> -> memref<1x16x128xf32, #tpu.memory_space<vmem>>
      %gather3A_1177 = tpu.memref_squeeze %gather3A_1176 : memref<1x16x128xf32, #tpu.memory_space<vmem>> -> memref<16x128xf32, #tpu.memory_space<vmem>>
      %gather3A_1178 = tpu.vector_load_idx %gather3A_1177[%iota3A, %broadcast_in_dim3A_1172] : memref<16x128xf32, #tpu.memory_space<vmem>>[vector<16xi32>, vector<16xi32>], vector<16xf32>,
      %not3A_1179 = arith.constant true
      %not3A_1180 = arith.xori %eq3A_85, %not3A_1179 : i1
      %or3A_1181 = arith.constant true
      %or3A_1182 = arith.ori %not3A_1180, %or3A_1181 : i1
      %convert_element_type3A_1183 = arith.extui %or3A_1182 : i1 to i32
      %convert_element_type3A_1184 = arith.sitofp %convert_element_type3A_1183 : i32 to f32
      %mul3A_1185 = vector.broadcast %convert_element_type3A_1184 : f32 to vector<16xf32>
      %mul3A_1186 = arith.mulf %gather3A_1178, %mul3A_1185 : vector<16xf32>
      %add3A_1187 = arith.addf %add3A_1107, %mul3A_1186 : vector<16xf32>
      %slice3A_1188 = vector.extract_strided_slice %get3A_76 {offsets = [12], sizes = [1], strides = [1]} : vector<16xi32> to vector<1xi32>
      %squeeze3A_1189 = vector.extract %slice3A_1188[0] : i32 from vector<1xi32>
      %rem3A_1190 = arith.constant 128 : i32
      %rem3A_1191 = arith.remsi %squeeze3A_1189, %rem3A_1190 : i32
      %broadcast_in_dim3A_1192 = vector.broadcast %rem3A_1191 : i32 to vector<16xi32>
      %gather3A_1193 = arith.constant 12 : i32
      %gather3A_1194 = arith.constant 0 : i32
      %gather3A_1195 = arith.constant 0 : i32
      %gather3A_1196 = tpu.memref_slice %arg9[%gather3A_1193, %gather3A_1194, %gather3A_1195] : memref<16x16x128xf32, #tpu.memory_space<vmem>> -> memref<1x16x128xf32, #tpu.memory_space<vmem>>
      %gather3A_1197 = tpu.memref_squeeze %gather3A_1196 : memref<1x16x128xf32, #tpu.memory_space<vmem>> -> memref<16x128xf32, #tpu.memory_space<vmem>>
      %gather3A_1198 = tpu.vector_load_idx %gather3A_1197[%iota3A, %broadcast_in_dim3A_1192] : memref<16x128xf32, #tpu.memory_space<vmem>>[vector<16xi32>, vector<16xi32>], vector<16xf32>,
      %not3A_1199 = arith.constant true
      %not3A_1200 = arith.xori %eq3A_85, %not3A_1199 : i1
      %or3A_1201 = arith.constant true
      %or3A_1202 = arith.ori %not3A_1200, %or3A_1201 : i1
      %convert_element_type3A_1203 = arith.extui %or3A_1202 : i1 to i32
      %convert_element_type3A_1204 = arith.sitofp %convert_element_type3A_1203 : i32 to f32
      %mul3A_1205 = vector.broadcast %convert_element_type3A_1204 : f32 to vector<16xf32>
      %mul3A_1206 = arith.mulf %gather3A_1198, %mul3A_1205 : vector<16xf32>
      %add3A_1207 = arith.addf %add3A_1127, %mul3A_1206 : vector<16xf32>
      %slice3A_1208 = vector.extract_strided_slice %get3A_76 {offsets = [13], sizes = [1], strides = [1]} : vector<16xi32> to vector<1xi32>
      %squeeze3A_1209 = vector.extract %slice3A_1208[0] : i32 from vector<1xi32>
      %rem3A_1210 = arith.constant 128 : i32
      %rem3A_1211 = arith.remsi %squeeze3A_1209, %rem3A_1210 : i32
      %broadcast_in_dim3A_1212 = vector.broadcast %rem3A_1211 : i32 to vector<16xi32>
      %gather3A_1213 = arith.constant 13 : i32
      %gather3A_1214 = arith.constant 0 : i32
      %gather3A_1215 = arith.constant 0 : i32
      %gather3A_1216 = tpu.memref_slice %arg9[%gather3A_1213, %gather3A_1214, %gather3A_1215] : memref<16x16x128xf32, #tpu.memory_space<vmem>> -> memref<1x16x128xf32, #tpu.memory_space<vmem>>
      %gather3A_1217 = tpu.memref_squeeze %gather3A_1216 : memref<1x16x128xf32, #tpu.memory_space<vmem>> -> memref<16x128xf32, #tpu.memory_space<vmem>>
      %gather3A_1218 = tpu.vector_load_idx %gather3A_1217[%iota3A, %broadcast_in_dim3A_1212] : memref<16x128xf32, #tpu.memory_space<vmem>>[vector<16xi32>, vector<16xi32>], vector<16xf32>,
      %not3A_1219 = arith.constant true
      %not3A_1220 = arith.xori %eq3A_85, %not3A_1219 : i1
      %or3A_1221 = arith.constant true
      %or3A_1222 = arith.ori %not3A_1220, %or3A_1221 : i1
      %convert_element_type3A_1223 = arith.extui %or3A_1222 : i1 to i32
      %convert_element_type3A_1224 = arith.sitofp %convert_element_type3A_1223 : i32 to f32
      %mul3A_1225 = vector.broadcast %convert_element_type3A_1224 : f32 to vector<16xf32>
      %mul3A_1226 = arith.mulf %gather3A_1218, %mul3A_1225 : vector<16xf32>
      %add3A_1227 = arith.addf %add3A_1147, %mul3A_1226 : vector<16xf32>
      %slice3A_1228 = vector.extract_strided_slice %get3A_76 {offsets = [14], sizes = [1], strides = [1]} : vector<16xi32> to vector<1xi32>
      %squeeze3A_1229 = vector.extract %slice3A_1228[0] : i32 from vector<1xi32>
      %rem3A_1230 = arith.constant 128 : i32
      %rem3A_1231 = arith.remsi %squeeze3A_1229, %rem3A_1230 : i32
      %broadcast_in_dim3A_1232 = vector.broadcast %rem3A_1231 : i32 to vector<16xi32>
      %gather3A_1233 = arith.constant 14 : i32
      %gather3A_1234 = arith.constant 0 : i32
      %gather3A_1235 = arith.constant 0 : i32
      %gather3A_1236 = tpu.memref_slice %arg9[%gather3A_1233, %gather3A_1234, %gather3A_1235] : memref<16x16x128xf32, #tpu.memory_space<vmem>> -> memref<1x16x128xf32, #tpu.memory_space<vmem>>
      %gather3A_1237 = tpu.memref_squeeze %gather3A_1236 : memref<1x16x128xf32, #tpu.memory_space<vmem>> -> memref<16x128xf32, #tpu.memory_space<vmem>>
      %gather3A_1238 = tpu.vector_load_idx %gather3A_1237[%iota3A, %broadcast_in_dim3A_1232] : memref<16x128xf32, #tpu.memory_space<vmem>>[vector<16xi32>, vector<16xi32>], vector<16xf32>,
      %not3A_1239 = arith.constant true
      %not3A_1240 = arith.xori %eq3A_85, %not3A_1239 : i1
      %or3A_1241 = arith.constant true
      %or3A_1242 = arith.ori %not3A_1240, %or3A_1241 : i1
      %convert_element_type3A_1243 = arith.extui %or3A_1242 : i1 to i32
      %convert_element_type3A_1244 = arith.sitofp %convert_element_type3A_1243 : i32 to f32
      %mul3A_1245 = vector.broadcast %convert_element_type3A_1244 : f32 to vector<16xf32>
      %mul3A_1246 = arith.mulf %gather3A_1238, %mul3A_1245 : vector<16xf32>
      %add3A_1247 = arith.addf %add3A_1167, %mul3A_1246 : vector<16xf32>
      %slice3A_1248 = vector.extract_strided_slice %get3A_76 {offsets = [15], sizes = [1], strides = [1]} : vector<16xi32> to vector<1xi32>
      %squeeze3A_1249 = vector.extract %slice3A_1248[0] : i32 from vector<1xi32>
      %rem3A_1250 = arith.constant 128 : i32
      %rem3A_1251 = arith.remsi %squeeze3A_1249, %rem3A_1250 : i32
      %broadcast_in_dim3A_1252 = vector.broadcast %rem3A_1251 : i32 to vector<16xi32>
      %gather3A_1253 = arith.constant 15 : i32
      %gather3A_1254 = arith.constant 0 : i32
      %gather3A_1255 = arith.constant 0 : i32
      %gather3A_1256 = tpu.memref_slice %arg9[%gather3A_1253, %gather3A_1254, %gather3A_1255] : memref<16x16x128xf32, #tpu.memory_space<vmem>> -> memref<1x16x128xf32, #tpu.memory_space<vmem>>
      %gather3A_1257 = tpu.memref_squeeze %gather3A_1256 : memref<1x16x128xf32, #tpu.memory_space<vmem>> -> memref<16x128xf32, #tpu.memory_space<vmem>>
      %gather3A_1258 = tpu.vector_load_idx %gather3A_1257[%iota3A, %broadcast_in_dim3A_1252] : memref<16x128xf32, #tpu.memory_space<vmem>>[vector<16xi32>, vector<16xi32>], vector<16xf32>,
      %not3A_1259 = arith.constant true
      %not3A_1260 = arith.xori %eq3A_85, %not3A_1259 : i1
      %or3A_1261 = arith.constant true
      %or3A_1262 = arith.ori %not3A_1260, %or3A_1261 : i1
      %convert_element_type3A_1263 = arith.extui %or3A_1262 : i1 to i32
      %convert_element_type3A_1264 = arith.sitofp %convert_element_type3A_1263 : i32 to f32
      %mul3A_1265 = vector.broadcast %convert_element_type3A_1264 : f32 to vector<16xf32>
      %mul3A_1266 = arith.mulf %gather3A_1258, %mul3A_1265 : vector<16xf32>
      %add3A_1267 = arith.addf %add3A_1187, %mul3A_1266 : vector<16xf32>
      %add3A_1268 = arith.addf %add3A_1207, %add3A_1227 : vector<16xf32>
      %add3A_1269 = arith.addf %add3A_1247, %add3A_1267 : vector<16xf32>
      %add3A_1270 = arith.addf %add3A_1268, %add3A_1269 : vector<16xf32>
      %swap3A = arith.constant 0 : index
      %swap3A_1271 = tpu.vector_load %arg11[%swap3A] {strides = array<i32>} : memref<16xf32, #tpu.memory_space<vmem>>, vector<16xf32>,
      tpu.vector_store %arg11[%swap3A], %add3A_1270 {strides = array<i32>} : memref<16xf32, #tpu.memory_space<vmem>>, vector<16xf32>,
      "tpu.region"() ({
        %run_scoped3A = tpu.sem_alloc : memref<!tpu.dma_semaphore, #tpu.memory_space<semaphore_mem>>
        %dma_start3A_1272 = arith.constant 0 : i32
        %dma_start3A_1273 = tpu.memref_slice %arg8[%arg1, %dma_start3A_1272] : memref<13x16xf32, #tpu.memory_space<hbm>> -> memref<1x16xf32, #tpu.memory_space<hbm>>
        %dma_start3A_1274 = tpu.memref_squeeze %dma_start3A_1273 : memref<1x16xf32, #tpu.memory_space<hbm>> -> memref<16xf32, #tpu.memory_space<hbm>>
        %dma_start3A_1275 = arith.constant 0 : i32
        %dma_start3A_1276 = tpu.memref_slice %arg8[%arg1, %dma_start3A_1275] : memref<13x16xf32, #tpu.memory_space<hbm>> -> memref<1x16xf32, #tpu.memory_space<hbm>>
        %dma_start3A_1277 = tpu.memref_squeeze %dma_start3A_1276 : memref<1x16xf32, #tpu.memory_space<hbm>> -> memref<16xf32, #tpu.memory_space<hbm>>
        tpu.enqueue_dma source(%arg11 : memref<16xf32, #tpu.memory_space<vmem>>) target(%dma_start3A_1277 : memref<16xf32, #tpu.memory_space<hbm>>) target_semaphore(%run_scoped3A : memref<!tpu.dma_semaphore, #tpu.memory_space<semaphore_mem>>)
        %dma_wait3A_1278 = arith.constant 0 : i32
        %dma_wait3A_1279 = tpu.memref_slice %arg8[%arg1, %dma_wait3A_1278] : memref<13x16xf32, #tpu.memory_space<hbm>> -> memref<1x16xf32, #tpu.memory_space<hbm>>
        %dma_wait3A_1280 = tpu.memref_squeeze %dma_wait3A_1279 : memref<1x16xf32, #tpu.memory_space<hbm>> -> memref<16xf32, #tpu.memory_space<hbm>>
        %dma_wait3A_1281 = arith.constant 0 : i32
        %dma_wait3A_1282 = tpu.memref_slice %arg8[%arg1, %dma_wait3A_1281] : memref<13x16xf32, #tpu.memory_space<hbm>> -> memref<1x16xf32, #tpu.memory_space<hbm>>
        %dma_wait3A_1283 = tpu.memref_squeeze %dma_wait3A_1282 : memref<1x16xf32, #tpu.memory_space<hbm>> -> memref<16xf32, #tpu.memory_space<hbm>>
        tpu.wait_dma2 semaphore(%run_scoped3A : memref<!tpu.dma_semaphore, #tpu.memory_space<semaphore_mem>>) src(%arg11 : memref<16xf32, #tpu.memory_space<vmem>>) dst(%dma_wait3A_1283 : memref<16xf32, #tpu.memory_space<hbm>>)
        tpu.yield
      }) : () -> ()
    } else {
    }
    %barrier3A = arith.constant 0 : index
    tpu.barrier barrier_id(%barrier3A)
    %eq3A_6 = arith.constant 0 : i32
    %eq3A_7 = arith.cmpi eq, %arg1, %eq3A_6 : i32
    %convert_element_type3A_8 = arith.extui %eq3A_7 : i1 to i32
    %cond3A_9 = arith.constant 0 : i32
    %cond3A_10 = arith.cmpi ne, %convert_element_type3A_8, %cond3A_9 : i32
    scf.if %cond3A_10 {
      "tpu.region"() ({
        %run_scoped3A = tpu.sem_alloc : memref<!tpu.dma_semaphore, #tpu.memory_space<semaphore_mem>>
        tpu.enqueue_dma source(%arg8 : memref<13x16xf32, #tpu.memory_space<hbm>>) target(%arg12 : memref<13x16xf32, #tpu.memory_space<vmem>>) target_semaphore(%run_scoped3A : memref<!tpu.dma_semaphore, #tpu.memory_space<semaphore_mem>>)
        tpu.wait_dma2 semaphore(%run_scoped3A : memref<!tpu.dma_semaphore, #tpu.memory_space<semaphore_mem>>) src(%arg8 : memref<13x16xf32, #tpu.memory_space<hbm>>) dst(%arg12 : memref<13x16xf32, #tpu.memory_space<vmem>>)
        tpu.yield
      }) : () -> ()
      %get3A = arith.constant 0 : i32
      %get3A_11 = arith.index_cast %get3A : i32 to index
      %get3A_12 = arith.constant 0 : index
      %get3A_13 = tpu.vector_load %arg12[%get3A_11, %get3A_12] {strides = array<i32>} : memref<13x16xf32, #tpu.memory_space<vmem>>, vector<16xf32>,
      %get3A_14 = arith.constant 1 : i32
      %get3A_15 = arith.index_cast %get3A_14 : i32 to index
      %get3A_16 = arith.constant 0 : index
      %get3A_17 = tpu.vector_load %arg12[%get3A_15, %get3A_16] {strides = array<i32>} : memref<13x16xf32, #tpu.memory_space<vmem>>, vector<16xf32>,
      %add3A = arith.addf %get3A_13, %get3A_17 : vector<16xf32>
      %get3A_18 = arith.constant 2 : i32
      %get3A_19 = arith.index_cast %get3A_18 : i32 to index
      %get3A_20 = arith.constant 0 : index
      %get3A_21 = tpu.vector_load %arg12[%get3A_19, %get3A_20] {strides = array<i32>} : memref<13x16xf32, #tpu.memory_space<vmem>>, vector<16xf32>,
      %add3A_22 = arith.addf %add3A, %get3A_21 : vector<16xf32>
      %get3A_23 = arith.constant 3 : i32
      %get3A_24 = arith.index_cast %get3A_23 : i32 to index
      %get3A_25 = arith.constant 0 : index
      %get3A_26 = tpu.vector_load %arg12[%get3A_24, %get3A_25] {strides = array<i32>} : memref<13x16xf32, #tpu.memory_space<vmem>>, vector<16xf32>,
      %add3A_27 = arith.addf %add3A_22, %get3A_26 : vector<16xf32>
      %get3A_28 = arith.constant 4 : i32
      %get3A_29 = arith.index_cast %get3A_28 : i32 to index
      %get3A_30 = arith.constant 0 : index
      %get3A_31 = tpu.vector_load %arg12[%get3A_29, %get3A_30] {strides = array<i32>} : memref<13x16xf32, #tpu.memory_space<vmem>>, vector<16xf32>,
      %add3A_32 = arith.addf %add3A_27, %get3A_31 : vector<16xf32>
      %get3A_33 = arith.constant 5 : i32
      %get3A_34 = arith.index_cast %get3A_33 : i32 to index
      %get3A_35 = arith.constant 0 : index
      %get3A_36 = tpu.vector_load %arg12[%get3A_34, %get3A_35] {strides = array<i32>} : memref<13x16xf32, #tpu.memory_space<vmem>>, vector<16xf32>,
      %add3A_37 = arith.addf %add3A_32, %get3A_36 : vector<16xf32>
      %get3A_38 = arith.constant 6 : i32
      %get3A_39 = arith.index_cast %get3A_38 : i32 to index
      %get3A_40 = arith.constant 0 : index
      %get3A_41 = tpu.vector_load %arg12[%get3A_39, %get3A_40] {strides = array<i32>} : memref<13x16xf32, #tpu.memory_space<vmem>>, vector<16xf32>,
      %add3A_42 = arith.addf %add3A_37, %get3A_41 : vector<16xf32>
      %get3A_43 = arith.constant 7 : i32
      %get3A_44 = arith.index_cast %get3A_43 : i32 to index
      %get3A_45 = arith.constant 0 : index
      %get3A_46 = tpu.vector_load %arg12[%get3A_44, %get3A_45] {strides = array<i32>} : memref<13x16xf32, #tpu.memory_space<vmem>>, vector<16xf32>,
      %add3A_47 = arith.addf %add3A_42, %get3A_46 : vector<16xf32>
      %get3A_48 = arith.constant 8 : i32
      %get3A_49 = arith.index_cast %get3A_48 : i32 to index
      %get3A_50 = arith.constant 0 : index
      %get3A_51 = tpu.vector_load %arg12[%get3A_49, %get3A_50] {strides = array<i32>} : memref<13x16xf32, #tpu.memory_space<vmem>>, vector<16xf32>,
      %add3A_52 = arith.addf %add3A_47, %get3A_51 : vector<16xf32>
      %get3A_53 = arith.constant 9 : i32
      %get3A_54 = arith.index_cast %get3A_53 : i32 to index
      %get3A_55 = arith.constant 0 : index
      %get3A_56 = tpu.vector_load %arg12[%get3A_54, %get3A_55] {strides = array<i32>} : memref<13x16xf32, #tpu.memory_space<vmem>>, vector<16xf32>,
      %add3A_57 = arith.addf %add3A_52, %get3A_56 : vector<16xf32>
      %get3A_58 = arith.constant 10 : i32
      %get3A_59 = arith.index_cast %get3A_58 : i32 to index
      %get3A_60 = arith.constant 0 : index
      %get3A_61 = tpu.vector_load %arg12[%get3A_59, %get3A_60] {strides = array<i32>} : memref<13x16xf32, #tpu.memory_space<vmem>>, vector<16xf32>,
      %add3A_62 = arith.addf %add3A_57, %get3A_61 : vector<16xf32>
      %get3A_63 = arith.constant 11 : i32
      %get3A_64 = arith.index_cast %get3A_63 : i32 to index
      %get3A_65 = arith.constant 0 : index
      %get3A_66 = tpu.vector_load %arg12[%get3A_64, %get3A_65] {strides = array<i32>} : memref<13x16xf32, #tpu.memory_space<vmem>>, vector<16xf32>,
      %add3A_67 = arith.addf %add3A_62, %get3A_66 : vector<16xf32>
      %get3A_68 = arith.constant 12 : i32
      %get3A_69 = arith.index_cast %get3A_68 : i32 to index
      %get3A_70 = arith.constant 0 : index
      %get3A_71 = tpu.vector_load %arg12[%get3A_69, %get3A_70] {strides = array<i32>} : memref<13x16xf32, #tpu.memory_space<vmem>>, vector<16xf32>,
      %add3A_72 = arith.addf %add3A_67, %get3A_71 : vector<16xf32>
      %swap3A = arith.constant 0 : index
      %swap3A_73 = tpu.vector_load %arg11[%swap3A] {strides = array<i32>} : memref<16xf32, #tpu.memory_space<vmem>>, vector<16xf32>,
      tpu.vector_store %arg11[%swap3A], %add3A_72 {strides = array<i32>} : memref<16xf32, #tpu.memory_space<vmem>>, vector<16xf32>,
      tpu.wait_dma2 semaphore(%arg17 : memref<!tpu.dma_semaphore, #tpu.memory_space<semaphore_mem>>) src(%arg4 : memref<16xf32, #tpu.memory_space<hbm>>) dst(%arg13 : memref<16xf32, #tpu.memory_space<vmem>>)
      %dma_wait3A = arith.constant 0 : i32
      %dma_wait3A_74 = tpu.memref_slice %arg14[%dma_wait3A] : memref<16xf32, #tpu.memory_space<vmem>> -> memref<1xf32, #tpu.memory_space<vmem>>
      %dma_wait3A_75 = arith.constant 0 : i32
      %dma_wait3A_76 = tpu.memref_slice %arg14[%dma_wait3A_75] : memref<16xf32, #tpu.memory_space<vmem>> -> memref<1xf32, #tpu.memory_space<vmem>>
      tpu.wait_dma2 semaphore(%arg18 : memref<!tpu.dma_semaphore, #tpu.memory_space<semaphore_mem>>) src(%arg5 : memref<1xf32, #tpu.memory_space<hbm>>) dst(%dma_wait3A_76 : memref<1xf32, #tpu.memory_space<vmem>>)
      %get3A_77 = arith.constant 0 : index
      %get3A_78 = tpu.vector_load %arg13[%get3A_77] {strides = array<i32>} : memref<16xf32, #tpu.memory_space<vmem>>, vector<16xf32>,
      %mul3A = arith.mulf %add3A_72, %get3A_78 : vector<16xf32>
      %iota3A = tpu.iota {dimensions = array<i32: 0>} : vector<16xi32>
      %xor3A = arith.constant 1 : i32
      %xor3A_79 = vector.broadcast %xor3A : i32 to vector<16xi32>
      %xor3A_80 = arith.xori %iota3A, %xor3A_79 : vector<16xi32>
      %broadcast_in_dim3A = vector.shape_cast %xor3A_80 : vector<16xi32> to vector<16x1xi32>
      %gather3A = vector.shape_cast %broadcast_in_dim3A : vector<16x1xi32> to vector<16xi32>
      %gather3A_81 = tpu.dynamic_gather %mul3A[%gather3A] in [0] : vector<16xf32>, vector<16xi32> -> vector<16xf32>
      %add3A_82 = arith.addf %mul3A, %gather3A_81 : vector<16xf32>
      %xor3A_83 = arith.constant 2 : i32
      %xor3A_84 = vector.broadcast %xor3A_83 : i32 to vector<16xi32>
      %xor3A_85 = arith.xori %iota3A, %xor3A_84 : vector<16xi32>
      %broadcast_in_dim3A_86 = vector.shape_cast %xor3A_85 : vector<16xi32> to vector<16x1xi32>
      %gather3A_87 = vector.shape_cast %broadcast_in_dim3A_86 : vector<16x1xi32> to vector<16xi32>
      %gather3A_88 = tpu.dynamic_gather %add3A_82[%gather3A_87] in [0] : vector<16xf32>, vector<16xi32> -> vector<16xf32>
      %add3A_89 = arith.addf %add3A_82, %gather3A_88 : vector<16xf32>
      %xor3A_90 = arith.constant 4 : i32
      %xor3A_91 = vector.broadcast %xor3A_90 : i32 to vector<16xi32>
      %xor3A_92 = arith.xori %iota3A, %xor3A_91 : vector<16xi32>
      %broadcast_in_dim3A_93 = vector.shape_cast %xor3A_92 : vector<16xi32> to vector<16x1xi32>
      %gather3A_94 = vector.shape_cast %broadcast_in_dim3A_93 : vector<16x1xi32> to vector<16xi32>
      %gather3A_95 = tpu.dynamic_gather %add3A_89[%gather3A_94] in [0] : vector<16xf32>, vector<16xi32> -> vector<16xf32>
      %add3A_96 = arith.addf %add3A_89, %gather3A_95 : vector<16xf32>
      %xor3A_97 = arith.constant 8 : i32
      %xor3A_98 = vector.broadcast %xor3A_97 : i32 to vector<16xi32>
      %xor3A_99 = arith.xori %iota3A, %xor3A_98 : vector<16xi32>
      %broadcast_in_dim3A_100 = vector.shape_cast %xor3A_99 : vector<16xi32> to vector<16x1xi32>
      %gather3A_101 = vector.shape_cast %broadcast_in_dim3A_100 : vector<16x1xi32> to vector<16xi32>
      %gather3A_102 = tpu.dynamic_gather %add3A_96[%gather3A_101] in [0] : vector<16xf32>, vector<16xi32> -> vector<16xf32>
      %add3A_103 = arith.addf %add3A_96, %gather3A_102 : vector<16xf32>
      %get3A_104 = arith.constant 0 : index
      %get3A_105 = tpu.vector_load %arg14[%get3A_104] {strides = array<i32>} : memref<16xf32, #tpu.memory_space<vmem>>, vector<16xf32>,
      %add3A_106 = arith.addf %add3A_103, %get3A_105 : vector<16xf32>
      %neg3A = arith.constant 0.000000e+00 : f32
      %neg3A_107 = vector.broadcast %neg3A : f32 to vector<16xf32>
      %neg3A_108 = arith.subf %neg3A_107, %add3A_106 : vector<16xf32>
      %exp3A = math.exp %neg3A_108 : vector<16xf32>
      %add3A_109 = arith.constant 1.000000e+00 : f32
      %add3A_110 = vector.broadcast %add3A_109 : f32 to vector<16xf32>
      %add3A_111 = arith.addf %add3A_110, %exp3A : vector<16xf32>
      %div3A = arith.constant 1.000000e+00 : f32
      %div3A_112 = vector.broadcast %div3A : f32 to vector<16xf32>
      %div3A_113 = arith.divf %div3A_112, %add3A_111 : vector<16xf32>
      %swap3A_114 = arith.constant 0 : index
      %swap3A_115 = tpu.vector_load %arg15[%swap3A_114] {strides = array<i32>} : memref<16xf32, #tpu.memory_space<vmem>>, vector<16xf32>,
      tpu.vector_store %arg15[%swap3A_114], %div3A_113 {strides = array<i32>} : memref<16xf32, #tpu.memory_space<vmem>>, vector<16xf32>,
      "tpu.region"() ({
        %run_scoped3A = tpu.sem_alloc : memref<!tpu.dma_semaphore, #tpu.memory_space<semaphore_mem>>
        tpu.enqueue_dma source(%arg15 : memref<16xf32, #tpu.memory_space<vmem>>) target(%arg6 : memref<16xf32, #tpu.memory_space<hbm>>) target_semaphore(%run_scoped3A : memref<!tpu.dma_semaphore, #tpu.memory_space<semaphore_mem>>)
        tpu.wait_dma2 semaphore(%run_scoped3A : memref<!tpu.dma_semaphore, #tpu.memory_space<semaphore_mem>>) src(%arg15 : memref<16xf32, #tpu.memory_space<vmem>>) dst(%arg6 : memref<16xf32, #tpu.memory_space<hbm>>)
        tpu.yield
      }) : () -> ()
      "tpu.region"() ({
        %run_scoped3A = tpu.sem_alloc : memref<!tpu.dma_semaphore, #tpu.memory_space<semaphore_mem>>
        tpu.enqueue_dma source(%arg11 : memref<16xf32, #tpu.memory_space<vmem>>) target(%arg7 : memref<16xf32, #tpu.memory_space<hbm>>) target_semaphore(%run_scoped3A : memref<!tpu.dma_semaphore, #tpu.memory_space<semaphore_mem>>)
        tpu.wait_dma2 semaphore(%run_scoped3A : memref<!tpu.dma_semaphore, #tpu.memory_space<semaphore_mem>>) src(%arg11 : memref<16xf32, #tpu.memory_space<vmem>>) dst(%arg7 : memref<16xf32, #tpu.memory_space<hbm>>)
        tpu.yield
      }) : () -> ()
    } else {
    }
    return
  }
}

</mosaic_0001>

<sc_bundles>
// kernel: kernel.3.cloned.1.call-start
scs
__scs_entry_jumppad:
0x0: {  	(pc) =	sbr.rel $0x88, $3  }
0x1: {  	(tag) =	ssettag $0x0;
	lr =	simm.s32 $0x1  }
0x2: {  	[smem:$0x3F9C] =	sst lr;
	_ =	strace $0xD0000000  }
0x3: {  	_ = 	snop  }
0x4: {  	_ = 	snop  }
0x5: {  	_ = 	snop  }
0x6: {  	_ = 	snop  }
0x7: {  	_ = 	snop  }
__scs_overlays_trampoline_lowered:
0x8: {  	[smem:$0x3FAB] =	sst s0  }
0x9: {  	[smem:$0x3FAC] =	sst s1  }
0xa: {  	[smem:$0x3FAD] =	sst s2  }
0xb: {  	[smem:$0x3FAE] =	sst s3  }
0xc: {  	[smem:$0x3FAF] =	sst s4  }
0xd: {  	[smem:$0x3FB0] =	sst s5  }
0xe: {  	[smem:$0x3FB1] =	sst s6  }
0xf: {  	[smem:$0x3FB2] =	sst s7  }
0x10: {  	[smem:$0x3FB3] =	sst s8  }
0x11: {  	[smem:$0x3FB4] =	sst s9;
	s0 =	simm.s32 @!p0 $0x0  }
0x12: {  	s1 =	sld [smem:$0x3F9A];
	s0 =	simm.s32 @p0 $0x1  }
0x13: {  	[smem:$0x3FB5] =	sst s0;
	s0 =	simm.s32 @!p1 $0x0  }
0x14: {  	s2 =	sld [smem:$0x3F99];
	s0 =	simm.s32 @p1 $0x1  }
0x15: {  	[smem:$0x3FB6] =	sst s0;
	s0 =	simm.s32 @!p2 $0x0  }
0x16: {  	s3 =	sld [smem:$0x3FDB];
	s0 =	simm.s32 @p2 $0x1  }
0x17: {  	s4 =	simm.s32 $0x1BF5;
	[smem:$0x3FB8] =	sst s0  }
0x18: {  	s0 =	sld [smem:$0x3F9B];
	_ =	swait.ge [sflag:s4], $0x0  }
0x19: {  	s7 =	sld [smem:$0x3F9C]  }
0x1a: {  	s8 =	sadd.s32 $0xFFFFE003, lr  }
0x1b: {  	s9 =	sadd.s32 $0xFFFFFEF7, lr;
	s5 =	simm.s32 $0xFFFFFFFF;
	p2 =	slt.u32 s8, $0xFFFFF086  }
0x1c: {  	p1 =	slt.u32 s9, $0xF7A;
	s5 =	simm.s32 @!p2 $0x0  }
0x1d: {  	s5 =	simm.s32 @p1 $0x1;
	p0 =	seq.s32 s7, s2  }
0x1e: {  	s7 =	smul.u32 @!p0 $0xF7A, s2;
	p2 =	seq.s32 @!p0 s5, $0x0  }
0x1f: {  	s9 =	smul.u32 $0xF7A, s1;
	s8 =	simm.s32 @!p0 $0x1BF5;
	p2 =	por !p2, p0  }
0x20: {  	[sflag:s8] =	ssyncset.s32 @!p0 $0xFFFFF086;
	s6 =	sadd.s32 @!p0 s3, s7;
	s7 =	simm.s32 @!p0 $0x108  }
0x21: {  	s3 =	sadd.s32 s3, s9;
	s6 =	sadd.s32 @!p0 $0x88, s6;
	s7 =	simm.s32 @p2 $0x1082  }
0x22: {  	[simem:s7], [sflag:s8] =	dma.local @!p0 [hbm:s6], $0xF7A  }
0x23: {  	s9 =	sor.u32 $0xD0000000, s2;
	s6 =	simm.s32 $0x108;
	_ =	swait.ge @!p0 [sflag:s8], $0x0  }
0x24: {  	s3 =	sadd.s32 $0x88, s3;
	s6 =	simm.s32 @!p1 $0x1082;
	[sflag:s4] =	ssyncset.s32 $0xFFFFF086  }
0x25: {  	[simem:s6], [sflag:s4] =	dma.local [hbm:s3], $0xF7A  }
0x26: {  	[smem:$0x3F9C] =	sst s1;
	(tag) =	ssettag s2;
	_ =	strace s9  }
0x27: {  	s1 =	sld [smem:$0x3FAC]  }
0x28: {  	s2 =	sld [smem:$0x3FAD]  }
0x29: {  	s4 =	sld [smem:$0x3FAF]  }
0x2a: {  	p0 =	seq.s32 s5, $0x0;
	s5 =	sld [smem:$0x3FB0]  }
0x2b: {  	s6 =	sld [smem:$0x3FB1]  }
0x2c: {  	s7 =	sld [smem:$0x3FB2]  }
0x2d: {  	s3 =	simm.s32 $0x108;
	s8 =	sld [smem:$0x3FB3]  }
0x2e: {  	s3 =	simm.s32 @!p0 $0x1082;
	s9 =	sld [smem:$0x3FB4]  }
0x2f: {  	lr =	sadd.s32 s0, s3;
	s0 =	sld [smem:$0x3FAB]  }
0x30: {  	s3 =	sld [smem:$0x3FAE]  }
0x31: {  	[smem:$0x3FB7] =	sst s10  }
0x32: {  	s10 =	sld [smem:$0x3FB5];
	_ =	sdelay $0x3  }
0x33: {  	p0 =	seq.s32 s10, $0x1;
	s10 =	sld [smem:$0x3FB7];
	_ =	sdelay $0x3  }
0x34: {  	[smem:$0x3FB7] =	sst s10  }
0x35: {  	s10 =	sld [smem:$0x3FB6];
	_ =	sdelay $0x3  }
0x36: {  	p1 =	seq.s32 s10, $0x1;
	s10 =	sld [smem:$0x3FB7];
	_ =	sdelay $0x3  }
0x37: {  	[smem:$0x3FB7] =	sst s10  }
0x38: {  	s10 =	sld [smem:$0x3FB8]  }
0x39: {  	_ = 	snop;
	(pc) =	sbr.ind lr, $3  }
0x3a: {  	_ = 	snop  }
0x3b: {  	_ = 	snop  }
0x3c: {  	p2 =	seq.s32 s10, $0x1;
	s10 =	sld [smem:$0x3FB7]  }
0x3d: {  	_ =	shalt  }
0x3e: {  	_ =	shalt  }
0x3f: {  	_ =	shalt  }
0x40: {  	_ =	shalt  }
0x41: {  	_ =	shalt  }
0x42: {  	_ =	shalt  }
0x43: {  	_ =	shalt  }
0x44: {  	_ =	shalt  }
0x45: {  	_ =	shalt  }
0x46: {  	_ =	shalt  }
0x47: {  	_ =	shalt  }
0x48: {  	_ =	shalt  }
0x49: {  	_ =	shalt  }
0x4a: {  	_ =	shalt  }
0x4b: {  	_ =	shalt  }
0x4c: {  	_ =	shalt  }
0x4d: {  	_ =	shalt  }
0x4e: {  	_ =	shalt  }
0x4f: {  	_ =	shalt  }
0x50: {  	_ =	shalt  }
0x51: {  	_ =	shalt  }
0x52: {  	_ =	shalt  }
0x53: {  	_ =	shalt  }
0x54: {  	_ =	shalt  }
0x55: {  	_ =	shalt  }
0x56: {  	_ =	shalt  }
0x57: {  	_ =	shalt  }
0x58: {  	_ =	shalt  }
0x59: {  	_ =	shalt  }
0x5a: {  	_ =	shalt  }
0x5b: {  	_ =	shalt  }
0x5c: {  	_ =	shalt  }
0x5d: {  	_ =	shalt  }
0x5e: {  	_ =	shalt  }
0x5f: {  	_ =	shalt  }
0x60: {  	_ =	shalt  }
0x61: {  	_ =	shalt  }
0x62: {  	_ =	shalt  }
0x63: {  	_ =	shalt  }
0x64: {  	_ =	shalt  }
0x65: {  	_ =	shalt  }
0x66: {  	_ =	shalt  }
0x67: {  	_ =	shalt  }
0x68: {  	_ =	shalt  }
0x69: {  	_ =	shalt  }
0x6a: {  	_ =	shalt  }
0x6b: {  	_ =	shalt  }
0x6c: {  	_ =	shalt  }
0x6d: {  	_ =	shalt  }
0x6e: {  	_ =	shalt  }
0x6f: {  	_ =	shalt  }
0x70: {  	_ =	shalt  }
0x71: {  	_ =	shalt  }
0x72: {  	_ =	shalt  }
0x73: {  	_ =	shalt  }
0x74: {  	_ =	shalt  }
0x75: {  	_ =	shalt  }
0x76: {  	_ =	shalt  }
0x77: {  	_ =	shalt  }
0x78: {  	_ =	shalt  }
0x79: {  	_ =	shalt  }
0x7a: {  	_ =	shalt  }
0x7b: {  	_ =	shalt  }
0x7c: {  	_ =	shalt  }
0x7d: {  	_ =	shalt  }
0x7e: {  	_ =	shalt  }
0x7f: {  	_ =	shalt  }
0x80: {  	_ =	shalt  }
0x81: {  	_ =	shalt  }
0x82: {  	_ =	shalt  }
0x83: {  	_ =	shalt  }
0x84: {  	_ =	shalt  }
0x85: {  	_ =	shalt  }
0x86: {  	_ =	shalt  }
0x87: {  	_ =	shalt  }
.Lfunc_end0:
.L_simem_size_0:
called_computation_lowered:
.L_overlay_start_0:
0x88: {  	s0 =	sld [smem:$0x3FD9]  }
0x89: {  	s1 =	sld [smem:$0x3FFE];
	_ =	sdelay $0x3  }
0x8a: {  	s0 =	sadd.s32 s1, s0  }
0x8b: {  	[smem:$0x3FC3] =	sst s0  }
0x8c: {  	_ = 	snop  }
0x8d: {  	s0 =	sld [smem:$0x3FC8]  }
0x8e: {  	s13 =	sld [smem:$0x3FD0]  }
0x8f: {  	s2 =	sld [smem:$0x3FC7]  }
0x90: {  	s3 =	sld [smem:$0x3FC6]  }
0x91: {  	s5 =	simm.s32 $0xA;
	s6 =	simm.s32 $0x10;
	s4 =	sld [smem:$0x3FC5]  }
0x92: {  	[smem:s6], [sflag:s5] =	dma.local [hbm:s13], $0x1  }
0x93: {  	_ =	swait.eq [sflag:s5], $0x1  }
0x94: {  	[sflag:s5] =	ssyncset.done $0x0  }
0x95: {  	s14 =	sld [smem:$0x10];
	[sflag:s5] =	ssyncadd.s32 $0xFFFFFFFF  }
0x96: {  	s15 =	sld [smem:$0x12];
	(tm) =	ssettm $0x1  }
0x97: {  	s16 =	sld [smem:$0x3FFB];
	_ =	sdelay $0x3  }
0x98: {  	_ =	strace s16  }
0x99: {  	s6 =	sld [smem:$0x3FFC];
	_ =	sdelay $0x3  }
0x9a: {  	_ =	strace s6  }
0x9b: {  	s6 =	sld [smem:$0x3FFD];
	_ =	sdelay $0x3  }
0x9c: {  	_ =	strace s6  }
0x9d: {  	_ =	strace $0x8FFFFFFF  }
0x9e: {  	s17 =	sld [smem:$0x3FDB];
	_ =	sdelay $0x1  }
0x9f: {  	s7 =	simm.s32 $_scs_section_size  }
0xa0: {  	s8 =	simm.s32 $_size__tile_overlayer_lowered;
	s9 =	simm.s32 $_tile_overlayer_lowered  }
0xa1: {  	s20 =	simm.s32 $0x1BFF;
	s19 =	sshll.u32 s9, $0x1;
	s6 =	sadd.s32 s7, s17  }
0xa2: {  	s10 =	simm.s32 $0x0;
	s18 =	sshll.u32 s8, $0x1;
	s8 =	sadd.s32 s19, s6  }
0xa3: {  	[timem:s10], [sflag:s20] =	dma.local [hbm:s8], s18  }
0xa4: {  	_ =	swait.ge [sflag:s20], s18  }
0xa5: {  	s7 =	ssub.s32 $0x0, s18;
	[sflag:s20] =	ssyncset.done $0x0  }
0xa6: {  	[sflag:s20] =	ssyncadd.s32 s7;
	_ =	sdelay $0x1  }
0xa7: {  	s21 =	simm.s32 $0x1B8B  }
0xa8: {  	_ =	swait.ge [sflag:s21], $0x1  }
0xa9: {  	[sflag:s21] =	ssyncset.done $0x0  }
0xaa: {  	s23 =	simm.s32 $0x1B8E;
	s22 =	sld [smem:$0x3FFE];
	[sflag:s21] =	ssyncadd.s32 $0xFFFFFFFF  }
0xab: {  	s24 =	simm.s32 $execute0_lowered;
	[smem:$0x3FD2] =	sst s23  }
0xac: {  	s8 =	sshll.u32 s24, $0x1;
	_ =	strace $0x80000046;
	[dreg:$0x1] =	wrdreg $0xFFFFFFFF  }
0xad: {  	s25 =	simm.s32 $_size_execute0_lowered;
	s6 =	sadd.s32 s6, s8;
	[dreg:$0x0] =	wrdreg $0x0  }
0xae: {  	s8 =	sshll.u32 s25, $0x1;
	[dreg:$0x2] =	wrdreg s6  }
0xaf: {  	[dreg:$0x3] =	wrdreg s8  }
0xb0: {  	[dreg:$0x4] =	wrdreg $0xC0  }
0xb1: {  	_ =	task [dreg:s10], $0x5FFFF  }
0xb2: {  	[dreg:$0x1] =	wrdreg $0xFFFFFFFF  }
0xb3: {  	[dreg:$0x0] =	wrdreg $0x60  }
0xb4: {  	[dreg:$0x2] =	wrdreg s0  }
0xb5: {  	[dreg:$0x3] =	wrdreg s2  }
0xb6: {  	[dreg:$0x4] =	wrdreg s3  }
0xb7: {  	[dreg:$0x5] =	wrdreg s4  }
0xb8: {  	[dreg:$0x6] =	wrdreg s14  }
0xb9: {  	[dreg:$0x7] =	wrdreg s15  }
0xba: {  	[dreg:$0x8] =	wrdreg s22  }
0xbb: {  	[dreg:$0x9] =	wrdreg $0x9  }
0xbc: {  	_ =	task.clear_ibuf [dreg:s10], $0xAFFFF;
	_ =	strace $0x90000046  }
0xbd: {  	s26 =	simm.s32 $0x9;
	_ =	strace $0x80000048  }
0xbe: {  	_ =	swait.ge [sflag:s26], $0x1  }
0xbf: {  	[sflag:s26] =	ssyncadd.s32 $0xFFFFFFFF  }
0xc0: {  	_ =	strace $0x90000048  }
0xc1: {  	_ =	sfence  }
0xc2: {  	s28 =	sld [smem:$0x0];
	_ =	sdelay $0x1  }
0xc3: {  	s29 =	srdreg.scid  }
0xc4: {  	s30 =	sshll.u32 s29, $0xD;
	s31 =	sshrl.u32 s29, $0x2  }
0xc5: {  	s1 =	sand.u32 $0x1, s29;
	s2 =	sand.u32 $0x4000, s30;
	s0 =	sadd.s32 s31, s28  }
0xc6: {  	s1 =	sor.u32 s2, s1;
	s0 =	sshll.u32 s0, $0x11  }
0xc7: {  	s0 =	sor.u32 s0, s1  }
0xc8: {  	s0 =	sadd.s32 $0x8F2B, s0  }
0xc9: {  	[sflag:s0] =	ssyncadd.remote.s32 $0x1  }
0xca: {  	_ =	sfence.sel $0xFFFF  }
0xcb: {  	[dreg:$0x0] =	wrdreg $0xFFFFFFFF;
	(pc) =	sbr.abs _section_cstart, $3  }
0xcc: {  	[dreg:$0x1] =	wrdreg $0xFFFFFFFF  }
0xcd: {  	_ =	task.clear_ibuf [dreg:s10], $0x2FFFF;
	_ =	strace $0x9FFFFFFF  }
0xce: {  	(tm) =	ssettm $0x7FFFFFFF  }
0xcf: {  	_ =	shalt  }
tec
execute0_lowered:
.L_overlay_start_1:
0x0: {  	(tag) =	ssettag $0x1  }
0x1: {  	s5 =	stileid.u32  }
0x2: {  	s0 =	rddreg [dreg:$0x0];
	p0 =	seq.s32 s5, $0x0  }
.Ltmp0:
0x3: {  	s26 =	rddreg [dreg:$0x1];
	(pc) =	sbr.rel @p0 .LBB2_3-.Ltmp0, $4  }
0x4: {  	s2 =	rddreg [dreg:$0x2]  }
0x5: {  	s1 =	rddreg [dreg:$0x3];
	s3 =	simm.s32 $0x0  }
0x6: {  	[smem:$0x7FF] =	sst s3  }
0x7: {  	s4 =	rddreg [dreg:$0x7];
	_ =	strace $0x80000047  }
0x8: {  	p0 =	slt.u32 s5, $0xD  }
.Ltmp1:
0x9: {  	_ = 	snop;
	(pc) =	sbr.rel @!p0 .LBB2_2-.Ltmp1, $1  }
0xa: {  	_ =	sdelay $0x3  }
0xb: {  	p0 =	sgt.s32 s5, $0x6  }
0xc: {  	p1 =	sgt.s32 @p0 s5, $0x9  }
0xd: {  	p2 =	por !p1, !p0  }
0xe: {  	p3 =	seq.s32 @!p2 s5, $0xA  }
0xf: {  	p4 =	por @p0 !p3, !p1  }
0x10: {  	p4 =	por p4, !p0  }
0x11: {  	s1 =	sadd.s32 $0x14, s0;
	s2 =	simm.s32 @!p4 $0x0;
	s3 =	simm.s32 @!p4 $0x8000  }
0x12: {  	[tilespmem:s3], [sflag:$0x4] =	stream.linear.gather @!p4 [hbm4b:s1+s2], $0x10, $0x38;
	[tilespmem:$0x8A80] =	vst v63  }
0x13: {  	p4 =	por @p0 p3, !p1  }
0x14: {  	p4 =	por p4, !p0  }
0x15: {  	p4 =	seq.s32 @!p4 s5, $0xB  }
0x16: {  	p5 =	por @!p2 !p4, p3  }
0x17: {  	p2 =	por @!p2 p4, p3;
	p5 =	por @p0 p5, !p1  }
0x18: {  	s1 =	sadd.s32 $0x16, s0;
	p2 =	por @p0 p2, !p1;
	p5 =	por p5, !p0  }
0x19: {  	p2 =	por p2, !p0;
	s2 =	simm.s32 @!p5 $0x0;
	s3 =	simm.s32 @!p5 $0x8000  }
0x1a: {  	[tilespmem:s3], [sflag:$0x4] =	stream.linear.gather @!p5 [hbm4b:s1+s2], $0x10, $0x38;
	[tilespmem:$0x8A80] =	vst v63  }
0x1b: {  	s1 =	sadd.s32 $0x17, s0;
	s2 =	simm.s32 @!p2 $0x0;
	s3 =	simm.s32 @!p2 $0x8000  }
0x1c: {  	[tilespmem:s3], [sflag:$0x4] =	stream.linear.gather @!p2 [hbm4b:s1+s2], $0x10, $0x38;
	[tilespmem:$0x8A80] =	vst v63  }
0x1d: {  	p2 =	por p1, !p0  }
0x1e: {  	p3 =	seq.s32 @!p2 s5, $0x7  }
0x1f: {  	p4 =	por @p0 !p3, p1  }
0x20: {  	p4 =	por p4, !p0  }
0x21: {  	s1 =	sadd.s32 $0xE, s0;
	s2 =	simm.s32 @!p4 $0x0;
	s3 =	simm.s32 @!p4 $0x8000  }
0x22: {  	[tilespmem:s3], [sflag:$0x4] =	stream.linear.gather @!p4 [hbm4b:s1+s2], $0x10, $0x38;
	[tilespmem:$0x8A80] =	vst v63  }
0x23: {  	p4 =	por @p0 p3, p1  }
0x24: {  	p4 =	por p4, !p0  }
0x25: {  	p4 =	seq.s32 @!p4 s5, $0x8  }
0x26: {  	p5 =	por @!p2 !p4, p3  }
0x27: {  	p2 =	por @!p2 p4, p3;
	p5 =	por @p0 p5, p1  }
0x28: {  	s1 =	sadd.s32 $0x10, s0;
	p1 =	por @p0 p2, p1;
	p5 =	por p5, !p0  }
0x29: {  	p1 =	por p1, !p0;
	s2 =	simm.s32 @!p5 $0x0;
	s3 =	simm.s32 @!p5 $0x8000  }
0x2a: {  	[tilespmem:s3], [sflag:$0x4] =	stream.linear.gather @!p5 [hbm4b:s1+s2], $0x10, $0x38;
	[tilespmem:$0x8A80] =	vst v63  }
0x2b: {  	s1 =	sadd.s32 $0x12, s0;
	s2 =	simm.s32 @!p1 $0x0;
	s3 =	simm.s32 @!p1 $0x8000  }
0x2c: {  	[tilespmem:s3], [sflag:$0x4] =	stream.linear.gather @!p1 [hbm4b:s1+s2], $0x10, $0x38;
	[tilespmem:$0x8A80] =	vst v63  }
0x2d: {  	p1 =	sgt.s32 @!p0 s5, $0x3  }
0x2e: {  	p2 =	por !p1, p0  }
0x2f: {  	p3 =	seq.s32 @!p2 s5, $0x4  }
0x30: {  	p4 =	por @!p0 !p3, !p1  }
0x31: {  	p4 =	por p4, p0  }
0x32: {  	s1 =	sadd.s32 $0x8, s0;
	s2 =	simm.s32 @!p4 $0x0;
	s3 =	simm.s32 @!p4 $0x8000  }
0x33: {  	[tilespmem:s3], [sflag:$0x4] =	stream.linear.gather @!p4 [hbm4b:s1+s2], $0x10, $0x38;
	[tilespmem:$0x8A80] =	vst v63  }
0x34: {  	p4 =	por @!p0 p3, !p1  }
0x35: {  	p4 =	por p4, p0  }
0x36: {  	p4 =	seq.s32 @!p4 s5, $0x5  }
0x37: {  	p5 =	por @!p2 !p4, p3  }
0x38: {  	p2 =	por @!p2 p4, p3;
	p5 =	por @!p0 p5, !p1  }
0x39: {  	s1 =	sadd.s32 $0xA, s0;
	p2 =	por @!p0 p2, !p1;
	p5 =	por p5, p0  }
0x3a: {  	p2 =	por p2, p0;
	s2 =	simm.s32 @!p5 $0x0;
	s3 =	simm.s32 @!p5 $0x8000  }
0x3b: {  	[tilespmem:s3], [sflag:$0x4] =	stream.linear.gather @!p5 [hbm4b:s1+s2], $0x10, $0x38;
	[tilespmem:$0x8A80] =	vst v63  }
0x3c: {  	s1 =	sadd.s32 $0xC, s0;
	s2 =	simm.s32 @!p2 $0x0;
	s3 =	simm.s32 @!p2 $0x8000  }
0x3d: {  	[tilespmem:s3], [sflag:$0x4] =	stream.linear.gather @!p2 [hbm4b:s1+s2], $0x10, $0x38;
	[tilespmem:$0x8A80] =	vst v63  }
0x3e: {  	p2 =	por p1, p0  }
0x3f: {  	p3 =	seq.s32 @!p2 s5, $0x1  }
0x40: {  	p4 =	por @!p0 !p3, p1  }
0x41: {  	p4 =	por p4, p0  }
0x42: {  	s1 =	sadd.s32 $0x2, s0;
	s2 =	simm.s32 @!p4 $0x0;
	s3 =	simm.s32 @!p4 $0x8000  }
0x43: {  	[tilespmem:s3], [sflag:$0x4] =	stream.linear.gather @!p4 [hbm4b:s1+s2], $0x10, $0x38;
	[tilespmem:$0x8A80] =	vst v63  }
0x44: {  	p4 =	por @!p0 p3, p1  }
0x45: {  	p4 =	por p4, p0  }
0x46: {  	p4 =	seq.s32 @!p4 s5, $0x2  }
0x47: {  	p5 =	por @!p2 !p4, p3  }
0x48: {  	s1 =	sadd.s32 $0x4, s0;
	p2 =	por @!p2 p4, p3;
	p5 =	por @!p0 p5, p1  }
.Ltmp2:
0x49: {  	p1 =	por @!p0 p2, p1;
	p5 =	por p5, p0;
	(pc) =	sbr.rel .LBB2_5-.Ltmp2, $4  }
0x4a: {  	p0 =	por p1, p0;
	s2 =	simm.s32 @!p5 $0x0;
	s3 =	simm.s32 @!p5 $0x8000  }
0x4b: {  	[tilespmem:s3], [sflag:$0x4] =	stream.linear.gather @!p5 [hbm4b:s1+s2], $0x10, $0x38;
	[tilespmem:$0x8A80] =	vst v63  }
0x4c: {  	s0 =	sadd.s32 $0x6, s0;
	s1 =	simm.s32 @!p0 $0x0;
	s2 =	simm.s32 @!p0 $0x8000  }
0x4d: {  	[tilespmem:s2], [sflag:$0x4] =	stream.linear.gather @!p0 [hbm4b:s0+s1], $0x10, $0x38;
	[tilespmem:$0x8A80] =	vst v63  }
.LBB2_3:
0x4e: {  	s4 =	simm.s32 $0x8900  }
0x4f: {  	[tilespmem:s4], [sflag:$0x2] =	stream.linear.gather [hbm4b:s2+s3], $0x80, $0x38;
	[tilespmem:$0x8A80] =	vst v63  }
0x50: {  	s30 =	simm.s32 $0x8980  }
0x51: {  	[tilespmem:s30], [sflag:$0x3] =	stream.linear.gather [hbm4b:s1+s3], $0x1, $0x38;
	[tilespmem:$0x8A80] =	vst v63  }
0x52: {  	s31 =	simm.s32 $0x8000  }
0x53: {  	[tilespmem:s31], [sflag:$0x4] =	stream.linear.gather [hbm4b:s0+s3], $0x10, $0x38;
	[tilespmem:$0x8A80] =	vst v63  }
.LBB2_5:
0x54: {  	s0 =	simm.s32 $0x4  }
0x55: {  	_ =	swait.ge [sflag:s0], $0x10  }
0x56: {  	[sflag:s0] =	ssyncset.done $0x0  }
0x57: {  	[sflag:s0] =	ssyncadd.s32 $0xFFFFFFF0  }
0x58: {  	v0 =	vld [tilespmem:$0x8000];
	_ =	sdelay $0x4  }
0x59: {  	(v2sf) =	vpush v0, $0x0;
	_ =	sdelay $0xe  }
0x5a: {  	s8 =	spop (v2sf);
	(v2sf) =	vpush v0, $0x1;
	_ =	sdelay $0x1  }
0x5b: {  	s25 =	sshra.s32 s8, $0x1F  }
0x5c: {  	s0 =	sshrl.u32 s25, $0x19  }
0x5d: {  	s0 =	sadd.s32 s0, s8  }
0x5e: {  	s1 =	sand.u32 $0xFFFFFF80, s0  }
0x5f: {  	p0 =	slt.s32 s8, $0x1;
	p1 =	sne.s32 s8, s1  }
0x60: {  	p0 =	por !p0, !p1  }
0x61: {  	[dreg:$0x8] =	wrdreg s1;
	s1 =	simm.s32 $0x1;
	p0 =	por !p0, !p0  }
0x62: {  	s0 =	sshrl.u32 s0, $0x7;
	s1 =	simm.s32 @!p0 $0x0  }
0x63: {  	s0 =	ssub.s32 s0, s1  }
0x64: {  	(v2sf) =	vpush v0, $0x2;
	s0 =	sshll.u32 s0, $0x7  }
0x65: {  	s19 =	simm.s32 $0x400;
	s0 =	sand.u32 $0x1FFFFF80, s0  }
0x66: {  	s20 =	simm.s32 $0x7A1400;
	s28 =	simm.s32 $0x0;
	s0 =	sadd.s32 s26, s0  }
0x67: {  	[tilespmem:s28], [sflag:$0x1] =	stream.strided.gather [hbm4b:s0+s19], $0x800, s20, s19, $0x38;
	[tilespmem:$0x8A80] =	vst v63  }
0x68: {  	s11 =	spop (v2sf)  }
0x69: {  	s29 =	sshra.s32 s11, $0x1F  }
0x6a: {  	s0 =	sshrl.u32 s29, $0x19  }
0x6b: {  	s0 =	sadd.s32 s0, s11  }
0x6c: {  	s30 =	sand.u32 $0xFFFFFF80, s0  }
0x6d: {  	p1 =	slt.s32 s11, $0x1;
	p2 =	sne.s32 s11, s30  }
0x6e: {  	p0 =	por !p1, !p2  }
0x6f: {  	s1 =	simm.s32 $0x1;
	p0 =	por !p0, !p0  }
0x70: {  	(v2sf) =	vpush v0, $0x3;
	s0 =	sshrl.u32 s0, $0x7;
	s1 =	simm.s32 @!p0 $0x0  }
0x71: {  	s0 =	ssub.s32 s0, s1  }
0x72: {  	s0 =	sshll.u32 s0, $0x7  }
0x73: {  	s14 =	spop (v2sf);
	s0 =	sand.u32 $0x1FFFFF80, s0  }
0x74: {  	s31 =	simm.s32 $0x800;
	s2 =	sshra.s32 s14, $0x1F;
	s0 =	sadd.s32 s26, s0  }
0x75: {  	[tilespmem:s31], [sflag:$0x1] =	stream.strided.gather [hbm4b:s0+s19], $0x800, s20, s19, $0x38;
	[tilespmem:$0x8A80] =	vst v63  }
0x76: {  	s0 =	sshrl.u32 s2, $0x19  }
0x77: {  	s0 =	sadd.s32 s0, s14  }
0x78: {  	s3 =	sand.u32 $0xFFFFFF80, s0  }
0x79: {  	p3 =	slt.s32 s14, $0x1;
	p4 =	sne.s32 s14, s3  }
0x7a: {  	p0 =	por !p3, !p4  }
0x7b: {  	s1 =	simm.s32 $0x1;
	p0 =	por !p0, !p0  }
0x7c: {  	(v2sf) =	vpush v0, $0x4;
	s0 =	sshrl.u32 s0, $0x7;
	s1 =	simm.s32 @!p0 $0x0  }
0x7d: {  	s0 =	ssub.s32 s0, s1  }
0x7e: {  	s0 =	sshll.u32 s0, $0x7  }
0x7f: {  	s17 =	spop (v2sf);
	s0 =	sand.u32 $0x1FFFFF80, s0  }
0x80: {  	s4 =	simm.s32 $0x1000;
	s5 =	sshra.s32 s17, $0x1F;
	s0 =	sadd.s32 s26, s0  }
0x81: {  	[tilespmem:s4], [sflag:$0x1] =	stream.strided.gather [hbm4b:s0+s19], $0x800, s20, s19, $0x38;
	[tilespmem:$0x8A80] =	vst v63  }
0x82: {  	s0 =	sshrl.u32 s5, $0x19  }
0x83: {  	s0 =	sadd.s32 s0, s17  }
0x84: {  	s6 =	sand.u32 $0xFFFFFF80, s0  }
0x85: {  	p5 =	slt.s32 s17, $0x1;
	p6 =	sne.s32 s17, s6  }
0x86: {  	p0 =	por !p5, !p6  }
0x87: {  	s1 =	simm.s32 $0x1;
	p0 =	por !p0, !p0  }
0x88: {  	(v2sf) =	vpush v0, $0x5;
	s0 =	sshrl.u32 s0, $0x7;
	s1 =	simm.s32 @!p0 $0x0  }
0x89: {  	s0 =	ssub.s32 s0, s1  }
0x8a: {  	s0 =	sshll.u32 s0, $0x7  }
0x8b: {  	s22 =	spop (v2sf);
	s0 =	sand.u32 $0x1FFFFF80, s0  }
0x8c: {  	s7 =	simm.s32 $0x1800;
	s9 =	sshra.s32 s22, $0x1F;
	s0 =	sadd.s32 s26, s0  }
0x8d: {  	[tilespmem:s7], [sflag:$0x1] =	stream.strided.gather [hbm4b:s0+s19], $0x800, s20, s19, $0x38;
	[tilespmem:$0x8A80] =	vst v63  }
0x8e: {  	s0 =	sshrl.u32 s9, $0x19  }
0x8f: {  	s0 =	sadd.s32 s0, s22  }
0x90: {  	s10 =	sand.u32 $0xFFFFFF80, s0  }
0x91: {  	p1 =	slt.s32 s22, $0x1;
	p2 =	sne.s32 s22, s10  }
0x92: {  	p0 =	por !p1, !p2  }
0x93: {  	s1 =	simm.s32 $0x1;
	p0 =	por !p0, !p0  }
0x94: {  	(v2sf) =	vpush v0, $0x6;
	s0 =	sshrl.u32 s0, $0x7;
	s1 =	simm.s32 @!p0 $0x0  }
0x95: {  	s0 =	ssub.s32 s0, s1  }
0x96: {  	s0 =	sshll.u32 s0, $0x7  }
0x97: {  	s25 =	spop (v2sf);
	s0 =	sand.u32 $0x1FFFFF80, s0  }
0x98: {  	s12 =	simm.s32 $0x2000;
	s13 =	sshra.s32 s25, $0x1F;
	s0 =	sadd.s32 s26, s0  }
0x99: {  	[tilespmem:s12], [sflag:$0x1] =	stream.strided.gather [hbm4b:s0+s19], $0x800, s20, s19, $0x38;
	[tilespmem:$0x8A80] =	vst v63  }
0x9a: {  	s0 =	sshrl.u32 s13, $0x19  }
0x9b: {  	s0 =	sadd.s32 s0, s25  }
0x9c: {  	s15 =	sand.u32 $0xFFFFFF80, s0  }
0x9d: {  	p3 =	slt.s32 s25, $0x1;
	p4 =	sne.s32 s25, s15  }
0x9e: {  	p0 =	por !p3, !p4  }
0x9f: {  	s1 =	simm.s32 $0x1;
	p0 =	por !p0, !p0  }
0xa0: {  	(v2sf) =	vpush v0, $0x7;
	s0 =	sshrl.u32 s0, $0x7;
	s1 =	simm.s32 @!p0 $0x0  }
0xa1: {  	s0 =	ssub.s32 s0, s1  }
0xa2: {  	s0 =	sshll.u32 s0, $0x7  }
0xa3: {  	s29 =	spop (v2sf);
	s0 =	sand.u32 $0x1FFFFF80, s0  }
0xa4: {  	s16 =	simm.s32 $0x2800;
	s18 =	sshra.s32 s29, $0x1F;
	s0 =	sadd.s32 s26, s0  }
0xa5: {  	[tilespmem:s16], [sflag:$0x1] =	stream.strided.gather [hbm4b:s0+s19], $0x800, s20, s19, $0x38;
	[tilespmem:$0x8A80] =	vst v63  }
0xa6: {  	s0 =	sshrl.u32 s18, $0x19  }
0xa7: {  	s0 =	sadd.s32 s0, s29  }
0xa8: {  	[dreg:$0x9] =	wrdreg s30;
	s30 =	sand.u32 $0xFFFFFF80, s0  }
0xa9: {  	p5 =	slt.s32 s29, $0x1;
	p6 =	sne.s32 s29, s30  }
0xaa: {  	p0 =	por !p5, !p6  }
0xab: {  	s1 =	simm.s32 $0x1;
	p0 =	por !p0, !p0  }
0xac: {  	(v2sf) =	vpush v0, $0x8;
	s0 =	sshrl.u32 s0, $0x7;
	s1 =	simm.s32 @!p0 $0x0  }
0xad: {  	s0 =	ssub.s32 s0, s1  }
0xae: {  	s0 =	sshll.u32 s0, $0x7  }
0xaf: {  	s2 =	spop (v2sf);
	s0 =	sand.u32 $0x1FFFFF80, s0  }
0xb0: {  	s21 =	simm.s32 $0x3000;
	s23 =	sshra.s32 s2, $0x1F;
	s0 =	sadd.s32 s26, s0  }
0xb1: {  	[tilespmem:s21], [sflag:$0x1] =	stream.strided.gather [hbm4b:s0+s19], $0x800, s20, s19, $0x38;
	[tilespmem:$0x8A80] =	vst v63  }
0xb2: {  	s0 =	sshrl.u32 s23, $0x19  }
0xb3: {  	s0 =	sadd.s32 s0, s2  }
0xb4: {  	s18 =	sand.u32 $0xFFFFFF80, s0  }
0xb5: {  	p1 =	slt.s32 s2, $0x1;
	p2 =	sne.s32 s2, s18  }
0xb6: {  	p0 =	por !p1, !p2  }
0xb7: {  	s1 =	simm.s32 $0x1;
	p0 =	por !p0, !p0  }
0xb8: {  	(v2sf) =	vpush v0, $0x9;
	s0 =	sshrl.u32 s0, $0x7;
	s1 =	simm.s32 @!p0 $0x0  }
0xb9: {  	s0 =	ssub.s32 s0, s1  }
0xba: {  	s0 =	sshll.u32 s0, $0x7  }
0xbb: {  	s4 =	spop (v2sf);
	s0 =	sand.u32 $0x1FFFFF80, s0  }
0xbc: {  	s24 =	simm.s32 $0x3800;
	s28 =	sshra.s32 s4, $0x1F;
	s0 =	sadd.s32 s26, s0  }
0xbd: {  	[tilespmem:s24], [sflag:$0x1] =	stream.strided.gather [hbm4b:s0+s19], $0x800, s20, s19, $0x38;
	[tilespmem:$0x8A80] =	vst v63  }
0xbe: {  	s0 =	sshrl.u32 s28, $0x19  }
0xbf: {  	s0 =	sadd.s32 s0, s4  }
0xc0: {  	[dreg:$0xd] =	wrdreg s15;
	s15 =	sand.u32 $0xFFFFFF80, s0  }
0xc1: {  	p3 =	slt.s32 s4, $0x1;
	p4 =	sne.s32 s4, s15  }
0xc2: {  	p0 =	por !p3, !p4  }
0xc3: {  	s1 =	simm.s32 $0x1;
	p0 =	por !p0, !p0  }
0xc4: {  	(v2sf) =	vpush v0, $0xA;
	s0 =	sshrl.u32 s0, $0x7;
	s1 =	simm.s32 @!p0 $0x0  }
0xc5: {  	s0 =	ssub.s32 s0, s1  }
0xc6: {  	s0 =	sshll.u32 s0, $0x7  }
0xc7: {  	s31 =	simm.s32 $0x4000;
	s13 =	spop (v2sf);
	s0 =	sand.u32 $0x1FFFFF80, s0  }
0xc8: {  	[dreg:$0xa] =	wrdreg s3;
	s3 =	sshra.s32 s13, $0x1F;
	s0 =	sadd.s32 s26, s0  }
0xc9: {  	[tilespmem:s31], [sflag:$0x1] =	stream.strided.gather [hbm4b:s0+s19], $0x800, s20, s19, $0x38;
	[tilespmem:$0x8A80] =	vst v63  }
0xca: {  	s0 =	sshrl.u32 s3, $0x19  }
0xcb: {  	s0 =	sadd.s32 s0, s13  }
0xcc: {  	s16 =	sand.u32 $0xFFFFFF80, s0  }
0xcd: {  	p5 =	slt.s32 s13, $0x1;
	p6 =	sne.s32 s13, s16  }
0xce: {  	p0 =	por !p5, !p6  }
0xcf: {  	s1 =	simm.s32 $0x1;
	p0 =	por !p0, !p0  }
0xd0: {  	(v2sf) =	vpush v0, $0xB;
	s0 =	sshrl.u32 s0, $0x7;
	s1 =	simm.s32 @!p0 $0x0  }
0xd1: {  	s0 =	ssub.s32 s0, s1  }
0xd2: {  	s0 =	sshll.u32 s0, $0x7  }
0xd3: {  	s5 =	simm.s32 $0x4800;
	s1 =	spop (v2sf);
	s0 =	sand.u32 $0x1FFFFF80, s0  }
0xd4: {  	[dreg:$0xb] =	wrdreg s6;
	s6 =	sshra.s32 s1, $0x1F;
	s0 =	sadd.s32 s26, s0  }
0xd5: {  	[tilespmem:s5], [sflag:$0x1] =	stream.strided.gather [hbm4b:s0+s19], $0x800, s20, s19, $0x38;
	[tilespmem:$0x8A80] =	vst v63  }
0xd6: {  	s0 =	sshrl.u32 s6, $0x19  }
0xd7: {  	s0 =	sadd.s32 s0, s1  }
0xd8: {  	s9 =	sand.u32 $0xFFFFFF80, s0  }
0xd9: {  	p1 =	slt.s32 s1, $0x1;
	p2 =	sne.s32 s1, s9  }
0xda: {  	p0 =	por !p1, !p2  }
0xdb: {  	s3 =	simm.s32 $0x1;
	p0 =	por !p0, !p0  }
0xdc: {  	(v2sf) =	vpush v0, $0xC;
	s0 =	sshrl.u32 s0, $0x7;
	s3 =	simm.s32 @!p0 $0x0  }
0xdd: {  	s0 =	ssub.s32 s0, s3  }
0xde: {  	s0 =	sshll.u32 s0, $0x7  }
0xdf: {  	s7 =	simm.s32 $0x5000;
	s28 =	spop (v2sf);
	s0 =	sand.u32 $0x1FFFFF80, s0  }
0xe0: {  	[dreg:$0xc] =	wrdreg s10;
	s10 =	sshra.s32 s28, $0x1F;
	s0 =	sadd.s32 s26, s0  }
0xe1: {  	[tilespmem:s7], [sflag:$0x1] =	stream.strided.gather [hbm4b:s0+s19], $0x800, s20, s19, $0x38;
	[tilespmem:$0x8A80] =	vst v63  }
0xe2: {  	s0 =	sshrl.u32 s10, $0x19  }
0xe3: {  	s0 =	sadd.s32 s0, s28  }
0xe4: {  	s31 =	sand.u32 $0xFFFFFF80, s0  }
0xe5: {  	p3 =	slt.s32 s28, $0x1;
	p4 =	sne.s32 s28, s31  }
0xe6: {  	p0 =	por !p3, !p4  }
0xe7: {  	s3 =	simm.s32 $0x1;
	p0 =	por !p0, !p0  }
0xe8: {  	(v2sf) =	vpush v0, $0xD;
	s0 =	sshrl.u32 s0, $0x7;
	s3 =	simm.s32 @!p0 $0x0  }
0xe9: {  	s0 =	ssub.s32 s0, s3  }
0xea: {  	s0 =	sshll.u32 s0, $0x7  }
0xeb: {  	s24 =	spop (v2sf);
	s0 =	sand.u32 $0x1FFFFF80, s0  }
0xec: {  	s12 =	simm.s32 $0x5800;
	s21 =	sshra.s32 s24, $0x1F;
	s0 =	sadd.s32 s26, s0  }
0xed: {  	[tilespmem:s12], [sflag:$0x1] =	stream.strided.gather [hbm4b:s0+s19], $0x800, s20, s19, $0x38;
	[tilespmem:$0x8A80] =	vst v63  }
0xee: {  	s0 =	sshrl.u32 s21, $0x19  }
0xef: {  	s0 =	sadd.s32 s0, s24  }
0xf0: {  	s21 =	sand.u32 $0xFFFFFF80, s0  }
0xf1: {  	p5 =	slt.s32 s24, $0x1;
	p6 =	sne.s32 s24, s21  }
0xf2: {  	p0 =	por !p5, !p6  }
0xf3: {  	s3 =	simm.s32 $0x1;
	p0 =	por !p0, !p0  }
0xf4: {  	s0 =	sshrl.u32 s0, $0x7;
	s3 =	simm.s32 @!p0 $0x0  }
0xf5: {  	s0 =	ssub.s32 s0, s3  }
0xf6: {  	s0 =	sshll.u32 s0, $0x7  }
0xf7: {  	(v2sf) =	vpush v0, $0xE;
	s10 =	spop (v2sf);
	s0 =	sand.u32 $0x1FFFFF80, s0  }
0xf8: {  	s23 =	simm.s32 $0x6000;
	s3 =	sshra.s32 s10, $0x1F;
	s0 =	sadd.s32 s26, s0  }
0xf9: {  	[tilespmem:s23], [sflag:$0x1] =	stream.strided.gather [hbm4b:s0+s19], $0x800, s20, s19, $0x38;
	[tilespmem:$0x8A80] =	vst v63  }
0xfa: {  	s0 =	sshrl.u32 s3, $0x19  }
0xfb: {  	s0 =	sadd.s32 s0, s10  }
0xfc: {  	s12 =	sand.u32 $0xFFFFFF80, s0  }
0xfd: {  	p1 =	slt.s32 s10, $0x1;
	p2 =	sne.s32 s10, s12  }
0xfe: {  	p0 =	por !p1, !p2  }
0xff: {  	s3 =	simm.s32 $0x1;
	p0 =	por !p0, !p0  }
0x100: {  	s0 =	sshrl.u32 s0, $0x7;
	s3 =	simm.s32 @!p0 $0x0  }
0x101: {  	s0 =	ssub.s32 s0, s3  }
0x102: {  	s0 =	sshll.u32 s0, $0x7  }
0x103: {  	s0 =	sand.u32 $0x1FFFFF80, s0  }
0x104: {  	s5 =	simm.s32 $0x6800;
	s0 =	sadd.s32 s26, s0  }
0x105: {  	(v2sf) =	vpush v0, $0xF;
	[tilespmem:s5], [sflag:$0x1] =	stream.strided.gather [hbm4b:s0+s19], $0x800, s20, s19, $0x38;
	[tilespmem:$0x8A80] =	vst v63  }
0x106: {  	s5 =	spop (v2sf)  }
0x107: {  	s6 =	sshra.s32 s5, $0x1F  }
0x108: {  	s0 =	sshrl.u32 s6, $0x19  }
0x109: {  	s0 =	sadd.s32 s0, s5  }
0x10a: {  	s6 =	sand.u32 $0xFFFFFF80, s0  }
0x10b: {  	p3 =	slt.s32 s5, $0x1;
	p4 =	sne.s32 s5, s6  }
0x10c: {  	p0 =	por !p3, !p4  }
0x10d: {  	s3 =	simm.s32 $0x1;
	p0 =	por !p0, !p0  }
0x10e: {  	s0 =	sshrl.u32 s0, $0x7;
	s3 =	simm.s32 @!p0 $0x0  }
0x10f: {  	s0 =	ssub.s32 s0, s3  }
0x110: {  	s0 =	sshll.u32 s0, $0x7  }
0x111: {  	s0 =	sand.u32 $0x1FFFFF80, s0  }
0x112: {  	s7 =	simm.s32 $0x7000;
	s0 =	sadd.s32 s26, s0  }
0x113: {  	[tilespmem:s7], [sflag:$0x1] =	stream.strided.gather [hbm4b:s0+s19], $0x800, s20, s19, $0x38;
	[tilespmem:$0x8A80] =	vst v63  }
0x114: {  	s0 =	spop (v2sf)  }
0x115: {  	s23 =	sshra.s32 s0, $0x1F  }
0x116: {  	s3 =	sshrl.u32 s23, $0x19  }
0x117: {  	s7 =	sadd.s32 s3, s0  }
0x118: {  	s3 =	sand.u32 $0xFFFFFF80, s7  }
0x119: {  	p5 =	slt.s32 s0, $0x1;
	p6 =	sne.s32 s0, s3  }
0x11a: {  	p0 =	por !p5, !p6  }
0x11b: {  	s23 =	simm.s32 $0x1;
	p0 =	por !p0, !p0  }
0x11c: {  	s7 =	sshrl.u32 s7, $0x7;
	s23 =	simm.s32 @!p0 $0x0  }
0x11d: {  	s7 =	ssub.s32 s7, s23  }
0x11e: {  	s7 =	sshll.u32 s7, $0x7  }
0x11f: {  	s7 =	sand.u32 $0x1FFFFF80, s7  }
0x120: {  	s26 =	sadd.s32 s26, s7;
	s7 =	simm.s32 $0x7800  }
0x121: {  	[tilespmem:s7], [sflag:$0x1] =	stream.strided.gather [hbm4b:s26+s19], $0x800, s20, s19, $0x38;
	[tilespmem:$0x8A80] =	vst v63  }
0x122: {  	s19 =	simm.s32 $0x1  }
0x123: {  	_ =	swait.ge [sflag:s19], $0x800  }
0x124: {  	[sflag:s19] =	ssyncset.done $0x0  }
0x125: {  	[sflag:s19] =	ssyncadd.s32 $0xFFFFF800  }
0x126: {  	_ =	swait.ge [sflag:s19], $0x800  }
0x127: {  	[sflag:s19] =	ssyncset.done $0x0  }
0x128: {  	[sflag:s19] =	ssyncadd.s32 $0xFFFFF800  }
0x129: {  	_ =	swait.ge [sflag:s19], $0x800  }
0x12a: {  	[sflag:s19] =	ssyncset.done $0x0  }
0x12b: {  	[sflag:s19] =	ssyncadd.s32 $0xFFFFF800  }
0x12c: {  	_ =	swait.ge [sflag:s19], $0x800  }
0x12d: {  	[sflag:s19] =	ssyncset.done $0x0  }
0x12e: {  	[sflag:s19] =	ssyncadd.s32 $0xFFFFF800  }
0x12f: {  	_ =	swait.ge [sflag:s19], $0x800  }
0x130: {  	[sflag:s19] =	ssyncset.done $0x0  }
0x131: {  	[sflag:s19] =	ssyncadd.s32 $0xFFFFF800  }
0x132: {  	_ =	swait.ge [sflag:s19], $0x800  }
0x133: {  	[sflag:s19] =	ssyncset.done $0x0  }
0x134: {  	[sflag:s19] =	ssyncadd.s32 $0xFFFFF800  }
0x135: {  	_ =	swait.ge [sflag:s19], $0x800  }
0x136: {  	[sflag:s19] =	ssyncset.done $0x0  }
0x137: {  	[sflag:s19] =	ssyncadd.s32 $0xFFFFF800  }
0x138: {  	_ =	swait.ge [sflag:s19], $0x800  }
0x139: {  	[sflag:s19] =	ssyncset.done $0x0  }
0x13a: {  	[sflag:s19] =	ssyncadd.s32 $0xFFFFF800  }
0x13b: {  	_ =	swait.ge [sflag:s19], $0x800  }
0x13c: {  	[sflag:s19] =	ssyncset.done $0x0  }
0x13d: {  	[sflag:s19] =	ssyncadd.s32 $0xFFFFF800  }
0x13e: {  	_ =	swait.ge [sflag:s19], $0x800  }
0x13f: {  	[sflag:s19] =	ssyncset.done $0x0  }
0x140: {  	[sflag:s19] =	ssyncadd.s32 $0xFFFFF800  }
0x141: {  	_ =	swait.ge [sflag:s19], $0x800  }
0x142: {  	[sflag:s19] =	ssyncset.done $0x0  }
0x143: {  	[sflag:s19] =	ssyncadd.s32 $0xFFFFF800  }
0x144: {  	_ =	swait.ge [sflag:s19], $0x800  }
0x145: {  	[sflag:s19] =	ssyncset.done $0x0  }
0x146: {  	[sflag:s19] =	ssyncadd.s32 $0xFFFFF800  }
0x147: {  	_ =	swait.ge [sflag:s19], $0x800  }
0x148: {  	[sflag:s19] =	ssyncset.done $0x0  }
0x149: {  	[sflag:s19] =	ssyncadd.s32 $0xFFFFF800  }
0x14a: {  	_ =	swait.ge [sflag:s19], $0x800  }
0x14b: {  	v62 =	vlaneseq.u32;
	[sflag:s19] =	ssyncset.done $0x0  }
0x14c: {  	v0 =	vmul.u32 $0x80, v62;
	s23 =	rddreg [dreg:$0x9];
	[sflag:s19] =	ssyncadd.s32 $0xFFFFF800  }
0x14d: {  	s2 =	ssub.s32 s2, s18;
	s11 =	ssub.s32 s11, s23;
	_ =	swait.ge [sflag:s19], $0x800  }
0x14e: {  	s4 =	ssub.s32 s4, s15;
	v1 =	vadd.s32 s11, v0;
	s26 =	rddreg [dreg:$0xa];
	[sflag:s19] =	ssyncset.done $0x0  }
0x14f: {  	s1 =	ssub.s32 s1, s9;
	v8 =	vadd.s32 s2, v0;
	s23 =	rddreg [dreg:$0xb];
	[sflag:s19] =	ssyncadd.s32 $0xFFFFF800  }
0x150: {  	v9 =	vadd.s32 s4, v0;
	s14 =	ssub.s32 s14, s26;
	s26 =	rddreg [dreg:$0xc];
	_ =	swait.ge [sflag:s19], $0x800  }
0x151: {  	v11 =	vadd.s32 s1, v0;
	[sflag:s19] =	ssyncset.done $0x0  }
0x152: {  	s11 =	ssub.s32 s17, s23;
	s23 =	simm.s32 $0x800;
	v2 =	vadd.s32 s14, v0;
	[sflag:s19] =	ssyncadd.s32 $0xFFFFF800  }
0x153: {  	s18 =	simm.s32 $0x3800;
	s14 =	ssub.s32 s22, s26;
	v3 =	vadd.s32 s11, v0;
	s20 =	rddreg [dreg:$0x8];
	v1 =	vld.idx.msk [tilespmem:v1+s23+$0x0], $0xffff  }
0x154: {  	s15 =	ssub.s32 s24, s21;
	s21 =	simm.s32 $0x4000;
	v4 =	vadd.s32 s14, v0;
	s8 =	ssub.s32 s8, s20;
	v8 =	vld.idx.msk [tilespmem:v8+s18+$0x0], $0xffff  }
0x155: {  	s22 =	ssub.s32 s29, s30;
	s17 =	rddreg [dreg:$0xd];
	v6 =	vadd.s32 s8, v0;
	v9 =	vld.idx.msk [tilespmem:v9+s21+$0x0], $0xffff;
	s23 =	simm.s32 $0x5000  }
0x156: {  	v7 =	vadd.s32 s22, v0;
	s11 =	ssub.s32 s25, s17;
	s25 =	simm.s32 $0x1000;
	v11 =	vld.idx.msk [tilespmem:v11+s23+$0x0], $0xffff  }
0x157: {  	s26 =	simm.s32 $0x1800;
	s29 =	ssub.s32 s13, s16;
	v5 =	vadd.s32 s11, v0;
	v2 =	vld.idx.msk [tilespmem:v2+s25+$0x0], $0xffff  }
0x158: {  	s1 =	simm.f32 $1.000000000e+00;
	s30 =	simm.s32 $0x2000;
	s13 =	ssub.s32 s28, s31;
	v10 =	vadd.s32 s29, v0;
	v3 =	vld.idx.msk [tilespmem:v3+s26+$0x0], $0xffff  }
0x159: {  	s0 =	ssub.s32 s0, s3;
	s14 =	simm.s32 $0x0;
	v12 =	vadd.s32 s13, v0;
	s19 =	stileid.u32;
	v4 =	vld.idx.msk [tilespmem:v4+s30+$0x0], $0xffff  }
0x15a: {  	v13 =	vadd.s32 s15, v0;
	s16 =	simm.s32 $0x3000;
	s20 =	ssub.s32 s5, s6;
	p0 =	sne.s32 s19, $0xC;
	v6 =	vld.idx.msk [tilespmem:v6+s14+$0x0], $0xffff  }
0x15b: {  	s17 =	ssub.s32 s10, s12;
	s11 =	simm.s32 $0x2800;
	v16 =	vadd.s32 s20, v0;
	s1 =	simm.s32 @!p0 $0x0;
	v7 =	vld.idx.msk [tilespmem:v7+s16+$0x0], $0xffff  }
0x15c: {  	s22 =	simm.s32 $0x4800;
	v14 =	vadd.s32 s17, v0;
	v0 =	vadd.s32 s0, v0;
	v15 =	vmov s1;
	v5 =	vld.idx.msk [tilespmem:v5+s11+$0x0], $0xffff  }
0x15d: {  	s24 =	simm.s32 $0x5800;
	v10 =	vld.idx.msk [tilespmem:v10+s22+$0x0], $0xffff;
	v1 =	vmul.f32 v1, v15  }
0x15e: {  	s25 =	simm.s32 $0x6000;
	v12 =	vld.idx.msk [tilespmem:v12+s24+$0x0], $0xffff;
	v2 =	vmul.f32 v2, v15;
	v3 =	vmul.f32 v3, v15  }
0x15f: {  	s28 =	simm.s32 $0x7000;
	v13 =	vld.idx.msk [tilespmem:v13+s25+$0x0], $0xffff;
	v8 =	vmul.f32 v8, v15;
	v1 =	vadd.f32 $0.0e+00, v1;
	v6 =	vmul.f32 v6, v15  }
0x160: {  	v63 =	vld.idx.msk [tilespmem:v16+s28+$0x0], $0xffff;
	v7 =	vmul.f32 v7, v15;
	v2 =	vadd.f32 $0.0e+00, v2;
	v3 =	vadd.f32 $0.0e+00, v3  }
0x161: {  	s26 =	simm.s32 $0x6800;
	v0 =	vld.idx.msk [tilespmem:v0+s7+$0x0], $0xffff;
	v4 =	vmul.f32 v4, v15;
	v5 =	vmul.f32 v5, v15;
	v6 =	vadd.f32 $0.0e+00, v6  }
0x162: {  	v14 =	vld.idx.msk [tilespmem:v14+s26+$0x0], $0xffff;
	v2 =	vadd.f32 v7, v2;
	v3 =	vadd.f32 v8, v3  }
0x163: {  	v1 =	vadd.f32 v5, v1;
	v4 =	vadd.f32 v4, v6  }
0x164: {  	v2 =	vadd.f32 v11, v2;
	v3 =	vadd.f32 v12, v3  }
0x165: {  	v1 =	vadd.f32 v10, v1;
	v4 =	vadd.f32 v9, v4  }
0x166: {  	v2 =	vadd.f32 v63, v2;
	v0 =	vadd.f32 v0, v3  }
0x167: {  	v1 =	vadd.f32 v14, v1;
	v4 =	vadd.f32 v13, v4;
	_ =	sdelay $0x1  }
0x168: {  	v0 =	vadd.f32 v0, v2;
	v1 =	vadd.f32 v1, v4;
	_ =	sdelay $0x1  }
0x169: {  	s29 =	rddreg [dreg:$0x6];
	v0 =	vadd.f32 v0, v1  }
0x16a: {  	s4 =	simm.s32 $0x0;
	s1 =	sadd.s32 $0x800, s29;
	s30 =	sshll.u32 s19, $0x4  }
0x16b: {  	s3 =	simm.s32 $0x4;
	s0 =	simm.s32 $0x8080;
	s31 =	sadd.s32 s1, s30;
	[tilespmem:$0x8080] =	vst v0  }
0x16c: {  	[hbm4b:s31+s4] =	stream.linear.scatter [tilespmem:s0], [sflag:$0x4], $0x80, $0x38;
	[tilespmem:$0x8A80] =	vst v63  }
0x16d: {  	_ =	swait.ge [sflag:s3], $0x80  }
0x16e: {  	[sflag:s3] =	ssyncset.done $0x0  }
0x16f: {  	[sflag:s3] =	ssyncadd.s32 $0xFFFFFF80  }
0x170: {  	p0 =	sne.s32 s19, $0x0;
	[bflag:$0x0] =	sbarrier.arrive $0xFFFF  }
0x171: {  	_ =	sfence.sel @p0 $0x180000  }
0x172: {  	[bflag:$0x0] =	sbarrier.arrive @p0 $0xFFFF  }
0x173: {  	_ =	strace @p0 $0x90000047  }
0x174: {  	[bflag:$0x2] =	sbarrier.arrive @p0 $0xFFFF  }
0x175: {  	s5 =	stileid.u32;
	_ =	shalt @p0  }
.LBB2_6:
0x176: {  	s2 =	simm.s32 $0x8100  }
0x177: {  	[tilespmem:s2], [sflag:$0x4] =	stream.linear.gather [hbm4b:s1+s4], $0x680, $0x38;
	[tilespmem:$0x8A80] =	vst v63  }
0x178: {  	_ =	swait.ge [sflag:s3], $0x680  }
0x179: {  	[sflag:s3] =	ssyncset.done $0x0  }
0x17a: {  	[sflag:s3] =	ssyncadd.s32 $0xFFFFF980  }
0x17b: {  	v0 =	vld [tilespmem:$0x8100]  }
0x17c: {  	v1 =	vld [tilespmem:$0x8180];
	_ =	sdelay $0x1  }
0x17d: {  	v2 =	vld [tilespmem:$0x8200];
	_ =	sdelay $0x1  }
0x17e: {  	v3 =	vld [tilespmem:$0x8280]  }
0x17f: {  	v0 =	vadd.f32 v1, v0  }
0x180: {  	v41 =	vld [tilespmem:$0x8300]  }
0x181: {  	v0 =	vadd.f32 v2, v0  }
0x182: {  	v42 =	vld [tilespmem:$0x8380]  }
0x183: {  	v0 =	vadd.f32 v3, v0  }
0x184: {  	v43 =	vld [tilespmem:$0x8400]  }
0x185: {  	v0 =	vadd.f32 v41, v0  }
0x186: {  	v44 =	vld [tilespmem:$0x8480]  }
0x187: {  	v0 =	vadd.f32 v42, v0  }
0x188: {  	v45 =	vld [tilespmem:$0x8500]  }
0x189: {  	v0 =	vadd.f32 v43, v0  }
0x18a: {  	v46 =	vld [tilespmem:$0x8580]  }
0x18b: {  	v0 =	vadd.f32 v44, v0  }
0x18c: {  	v47 =	vld [tilespmem:$0x8600]  }
0x18d: {  	v0 =	vadd.f32 v45, v0  }
0x18e: {  	v48 =	vld [tilespmem:$0x8680]  }
0x18f: {  	v0 =	vadd.f32 v46, v0  }
0x190: {  	v49 =	vld [tilespmem:$0x8700]  }
0x191: {  	v0 =	vadd.f32 v47, v0;
	_ =	sdelay $0x1  }
0x192: {  	v0 =	vadd.f32 v48, v0;
	_ =	sdelay $0x1  }
0x193: {  	v0 =	vadd.f32 v49, v0;
	_ =	sdelay $0x1  }
0x194: {  	s26 =	simm.s32 $0x2;
	[tilespmem:$0x8080] =	vst v0  }
0x195: {  	_ =	swait.ge [sflag:s26], $0x80  }
0x196: {  	[sflag:s26] =	ssyncset.done $0x0  }
0x197: {  	s28 =	simm.s32 $0x3;
	[sflag:s26] =	ssyncadd.s32 $0xFFFFFF80  }
0x198: {  	_ =	swait.ge [sflag:s28], $0x1  }
0x199: {  	[sflag:s28] =	ssyncset.done $0x0  }
0x19a: {  	v51 =	vimm.s32 $0xEFCDAB89;
	v52 =	vimm.s32 $0x67452301;
	[sflag:s28] =	ssyncadd.s32 $0xFFFFFFFF  }
0x19b: {  	v2 =	vunpack.c.l.s4.s8 v51;
	v3 =	vunpack.c.l.s4.s8 v52;
	v50 =	vld [tilespmem:$0x8900];
	_ =	sdelay $0x1  }
0x19c: {  	v2 =	vunpack.c.0.s8.s32 v2;
	v3 =	vunpack.c.0.s8.s32 v3  }
0x19d: {  	v54 =	vimm.s32 $0xDCFE98BA;
	v55 =	vimm.s32 $0x54761032  }
0x19e: {  	v53 =	vcombine.low v3, v2;
	v2 =	vunpack.c.l.s4.s8 v54;
	v3 =	vunpack.c.l.s4.s8 v55  }
0x19f: {  	v0 =	vmul.f32 v50, v0  }
0x1a0: {  	v2 =	vunpack.c.0.s8.s32 v2;
	v3 =	vunpack.c.0.s8.s32 v3  }
0x1a1: {  	v1 =	vperm.xlane v0, v53  }
0x1a2: {  	v57 =	vimm.s32 $0xBA98FEDC;
	v58 =	vimm.s32 $0x32107654;
	v56 =	vcombine.low v3, v2  }
0x1a3: {  	v2 =	vunpack.c.l.s4.s8 v57;
	v3 =	vunpack.c.l.s4.s8 v58;
	v0 =	vadd.f32 v1, v0  }
0x1a4: {  	v4 =	vimm.s32 $0xFEDCBA98  }
0x1a5: {  	v2 =	vunpack.c.0.s8.s32 v2;
	v3 =	vunpack.c.0.s8.s32 v3;
	v1 =	vperm.xlane v0, v56  }
0x1a6: {  	v5 =	vimm.s32 $0x76543210;
	v4 =	vunpack.c.l.s4.s8 v4  }
0x1a7: {  	v60 =	vunpack.c.l.s4.s8 v5;
	v59 =	vcombine.low v3, v2;
	v0 =	vadd.f32 v1, v0  }
0x1a8: {  	v61 =	vunpack.c.0.s8.s32 v4  }
0x1a9: {  	v2 =	vunpack.c.0.s8.s32 v60;
	v1 =	vperm.xlane v0, v59  }
0x1aa: {  	v3 =	vand.u32 $0xF, v61  }
0x1ab: {  	v62 =	vcombine.low v3, v2;
	v0 =	vadd.f32 v1, v0  }
0x1ac: {  	v63 =	vld [tilespmem:$0x8980]  }
0x1ad: {  	v1 =	vperm.xlane v0, v62;
	_ =	sdelay $0x1  }
0x1ae: {  	v0 =	vadd.f32 v1, v0;
	_ =	sdelay $0x1  }
0x1af: {  	v0 =	vadd.f32 v63, v0;
	_ =	sdelay $0x1  }
0x1b0: {  	v0 =	vsub.f32 $0.0e+00, v0;
	_ =	sdelay $0x1  }
0x1b1: {  	v0 =	vmul.f32 $1.442695020e+00, v0;
	_ =	sdelay $0x1  }
0x1b2: {  	(erf) = vpow2.f32 v0;
	_ =	sdelay $0x8  }
0x1b3: {  	v0 =	vpop (erf)  }
0x1b4: {  	v0 =	vadd.f32 $1.000000000e+00, v0;
	_ =	sdelay $0x1  }
0x1b5: {  	(erf) = vrcp.f32 v0;
	_ =	sdelay $0x8  }
0x1b6: {  	v0 =	vpop (erf)  }
0x1b7: {  	s29 =	simm.s32 $0x8A00;
	s30 =	rddreg [dreg:$0x4];
	[tilespmem:$0x8A00] =	vst v0  }
0x1b8: {  	[hbm4b:s30+s4] =	stream.linear.scatter [tilespmem:s29], [sflag:$0x4], $0x80, $0x38;
	[tilespmem:$0x8A80] =	vst v63  }
0x1b9: {  	_ =	swait.ge [sflag:s3], $0x80  }
0x1ba: {  	[sflag:s3] =	ssyncset.done $0x0  }
0x1bb: {  	[sflag:s3] =	ssyncadd.s32 $0xFFFFFF80  }
0x1bc: {  	s31 =	rddreg [dreg:$0x5]  }
0x1bd: {  	[hbm4b:s31+s4] =	stream.linear.scatter [tilespmem:s0], [sflag:$0x4], $0x80, $0x38;
	[tilespmem:$0x8A80] =	vst v63  }
.Ltmp3:
0x1be: {  	_ = 	snop;
	(pc) =	sbr.rel .LBB2_7-.Ltmp3, $4  }
0x1bf: {  	_ =	swait.ge [sflag:s3], $0x80  }
0x1c0: {  	[sflag:s3] =	ssyncset.done $0x0  }
0x1c1: {  	[sflag:s3] =	ssyncadd.s32 $0xFFFFFF80  }
0x1c2: {  	s4 =	rddreg [dreg:$0x7]  }
.LBB2_2:
0x1c3: {  	[bflag:$0x0] =	sbarrier.arrive $0xFFFF  }
.LBB2_7:
0x1c4: {  	_ =	sfence.sel $0x180000  }
0x1c5: {  	[bflag:$0x0] =	sbarrier.arrive $0xFFFF  }
0x1c6: {  	p0 =	sne.s32 s5, $0x0;
	_ =	strace $0x90000047  }
0x1c7: {  	s0 =	sadd.s32 @!p0 $0x100000, s4;
	[bflag:$0x2] =	sbarrier.arrive $0xFFFF  }
0x1c8: {  	[sflag:s0] =	ssyncadd.tile.s32 @!p0 $0x1;
	_ =	shalt  }
.Lfunc_end2:
_tile_overlayer_lowered:
.L_overlay_start_2:
0x1c9: {  	(tag) =	ssettag $0x2  }
0x1ca: {  	s0 =	rddreg [dreg:$0x0];
	s2 =	stileid.u32  }
0x1cb: {  	s1 =	rddreg [dreg:$0x1];
	p0 =	sne.s32 s2, $0x0  }
0x1cc: {  	s3 =	rddreg [dreg:$0x2];
	[bflag:$0x3] =	sbarrier.arrive $0xFFFF;
	s2 =	simm.s32 @!p0 $0x1C04  }
0x1cd: {  	[timem:s3], [sflag:s2] =	dma.local @!p0 [hbm:s0], s1  }
0x1ce: {  	s0 =	simm.s32 @!p0 $0x4  }
0x1cf: {  	_ =	swait.ge @!p0 [sflag:s0], s1  }
0x1d0: {  	s1 =	ssub.s32 @!p0 $0x0, s1;
	[sflag:s0] =	ssyncset.done @!p0 $0x0  }
0x1d1: {  	[sflag:s0] =	ssyncadd.s32 @!p0 s1  }
0x1d2: {  	[bflag:$0x3] =	sbarrier.arrive $0xFFFF  }
0x1d3: {  	_ =	shalt  }

</sc_bundles>
